<compile_context>
chip_gen: v7x
topology: tpu7x:2x2x1
jax: 0.10.2.dev20260603
libtpu: 0.0.44.dev20260713+nightly
codegen_flags: <defaults>
</compile_context>

<pallas_src>
import jax
import jax.numpy as jnp
from jax import lax
from jax.experimental import pallas as pl
from jax.experimental.pallas import tpu as pltpu
from jax.experimental.pallas import tpu_sc as plsc

_CHUNK = 128
_L = 16


def _glove_sc_t(B, D, NC, NS):
    NW = NC * NS
    bpw = B // NW
    n_chunks = bpw // _CHUNK
    mesh = plsc.VectorSubcoreMesh(
        core_axis_name="c", subcore_axis_name="s",
        num_cores=NC, num_subcores=NS)

    def body(left_hbm, right_hbm, leT, lbT, reT, rbT, out_hbm,
             idx_l, idx_r, lv, rv, bl, br, outv, sem_b, sem_d):
        wid = lax.axis_index("s") * NC + lax.axis_index("c")
        cbase = wid * n_chunks
        pltpu.sync_copy(left_hbm.at[pl.ds(cbase, n_chunks)], idx_l)
        pltpu.sync_copy(right_hbm.at[pl.ds(cbase, n_chunks)], idx_r)

        bias_hs = []
        for j in range(n_chunks):
            sl = pl.ds(j * _CHUNK, _CHUNK)
            bias_hs.append(pltpu.async_copy(lbT.at[0].at[idx_l.at[j]], bl.at[sl], sem_b))
            bias_hs.append(pltpu.async_copy(rbT.at[0].at[idx_r.at[j]], br.at[sl], sem_b))

        def dloop(dd, _):
            hs = []
            for j in range(n_chunks):
                sl = pl.ds(j * _CHUNK, _CHUNK)
                hs.append(pltpu.async_copy(leT.at[dd].at[idx_l.at[j]], lv.at[dd, sl], sem_d))
                hs.append(pltpu.async_copy(reT.at[dd].at[idx_r.at[j]], rv.at[dd, sl], sem_d))
            for h in hs:
                h.wait()
            return 0

        lax.fori_loop(0, D, dloop, 0)
        for h in bias_hs:
            h.wait()

        def gbody(k, _):
            sl = pl.ds(k * _L, _L)

            def dsum(dd, acc):
                return acc + lv[dd, sl] * rv[dd, sl]

            acc = lax.fori_loop(0, D, dsum, jnp.zeros((_L,), jnp.float32))
            outv[sl] = acc + bl[sl] + br[sl]
            return 0

        lax.fori_loop(0, bpw // _L, gbody, 0)
        pltpu.sync_copy(outv, out_hbm.at[pl.ds(wid * bpw, bpw)])

    return pl.kernel(
        body,
        out_type=jax.ShapeDtypeStruct((B,), jnp.float32),
        mesh=mesh,
        compiler_params=pltpu.CompilerParams(
            needs_layout_passes=False, use_tc_tiling_on_sc=False),
        scratch_types=[
            pltpu.VMEM((n_chunks, _CHUNK), jnp.int32),
            pltpu.VMEM((n_chunks, _CHUNK), jnp.int32),
            pltpu.VMEM((D, bpw), jnp.float32),
            pltpu.VMEM((D, bpw), jnp.float32),
            pltpu.VMEM((bpw,), jnp.float32),
            pltpu.VMEM((bpw,), jnp.float32),
            pltpu.VMEM((bpw,), jnp.float32),
            pltpu.SemaphoreType.DMA,
            pltpu.SemaphoreType.DMA,
        ],
    )


def kernel(left, right, l_emb, l_bias, r_emb, r_bias):
    (B,) = left.shape
    V, D = l_emb.shape
    info = plsc.get_sparse_core_info()
    NC, NS = info.num_cores, info.num_subcores
    left2d = left.astype(jnp.int32).reshape(B // _CHUNK, _CHUNK)
    right2d = right.astype(jnp.int32).reshape(B // _CHUNK, _CHUNK)
    fn = _glove_sc_t(B, D, NC, NS)
    return fn(left2d, right2d, l_emb.T, l_bias.T, r_emb.T, r_bias.T)

# --- scband reference (transcript-rebuilt; emitter-appended) ---
"""Pipeline reference for scband-glove-84267258348152 (READ-ONLY COPY).

The authoritative reference and input builder live on the scoring server;
editing this copy changes nothing except your own understanding.
"""

import jax, jax.numpy as jnp
import numpy as np

V = 1000000
D = 64
B = 16384

def setup_inputs(seed: int = 0) -> dict:
    key = jax.random.key(seed)
    ks = jax.random.split(key, 6)
    left = jax.random.randint(ks[0], (B,), 0, V, dtype=jnp.int64 if jax.config.jax_enable_x64 else jnp.int32)
    right = jax.random.randint(ks[1], (B,), 0, V, dtype=jnp.int64 if jax.config.jax_enable_x64 else jnp.int32)
    l_emb = jax.random.normal(ks[2], (V, D), dtype=jnp.float32) * 0.02
    r_emb = jax.random.normal(ks[3], (V, D), dtype=jnp.float32) * 0.02
    l_bias = jax.random.normal(ks[4], (V, 1), dtype=jnp.float32) * 0.02
    r_bias = jax.random.normal(ks[5], (V, 1), dtype=jnp.float32) * 0.02
    return {"left": left, "right": right, "l_emb": l_emb, "l_bias": l_bias, "r_emb": r_emb, "r_bias": r_bias}

def reference(left, right, l_emb, l_bias, r_emb, r_bias):
    # nn.Embedding lookups -> gathers
    l_v = jnp.take(l_emb, left, axis=0)   # [B, D]
    l_b = jnp.take(l_bias, left, axis=0)  # [B, 1]
    r_v = jnp.take(r_emb, right, axis=0)  # [B, D]
    r_b = jnp.take(r_bias, right, axis=0) # [B, 1]
    # 2-D inputs (len(shape)==2), so the ngram-combine branch is not taken
    return (l_v * r_v).sum(axis=-1) + jnp.squeeze(l_b, axis=-1) + jnp.squeeze(r_b, axis=-1)

if __name__ == "__main__":
    import jax
    _d = setup_inputs()
    print(jax.jit(kernel)(*tuple(_d.values())))

</pallas_src>

<mosaic_0001>
#map = affine_map<(d0, d1) -> (0, 0)>
#map1 = affine_map<(d0, d1) -> (0)>
module attributes {stable_mosaic.version = 14 : i64} {
  func.func @body(%arg0: i32, %arg1: i32, %arg2: memref<128x128xi32, #tpu.memory_space<hbm>>, %arg3: memref<128x128xi32, #tpu.memory_space<hbm>>, %arg4: memref<64x1000000xf32, #tpu.memory_space<hbm>>, %arg5: memref<1x1000000xf32, #tpu.memory_space<hbm>>, %arg6: memref<64x1000000xf32, #tpu.memory_space<hbm>>, %arg7: memref<1x1000000xf32, #tpu.memory_space<hbm>>, %arg8: memref<16384xf32, #tpu.memory_space<hbm>>, %arg9: memref<4x128xi32, #tpu.memory_space<vmem>>, %arg10: memref<4x128xi32, #tpu.memory_space<vmem>>, %arg11: memref<64x512xf32, #tpu.memory_space<vmem>>, %arg12: memref<64x512xf32, #tpu.memory_space<vmem>>, %arg13: memref<512xf32, #tpu.memory_space<vmem>>, %arg14: memref<512xf32, #tpu.memory_space<vmem>>, %arg15: memref<512xf32, #tpu.memory_space<vmem>>, %arg16: memref<!tpu.dma_semaphore, #tpu.memory_space<semaphore_mem>>, %arg17: memref<!tpu.dma_semaphore, #tpu.memory_space<semaphore_mem>>) attributes {dimension_semantics = [#tpu.dimension_semantics<core_parallel>, #tpu.dimension_semantics<subcore_parallel>], iteration_bounds = array<i64: 2, 16>, scalar_prefetch = 0 : i64, scratch_operands = 9 : i64, tpu.core_type = #tpu.core_type<sc_vector_subcore>, window_params = [{transform_indices = #map}, {transform_indices = #map}, {transform_indices = #map}, {transform_indices = #map}, {transform_indices = #map}, {transform_indices = #map}, {transform_indices = #map1}]} {
    %mul3A = arith.constant 2 : i32
    %mul3A_0 = arith.muli %arg1, %mul3A : i32
    %add3A = arith.addi %mul3A_0, %arg0 : i32
    %mul3A_1 = arith.constant 4 : i32
    %mul3A_2 = arith.muli %add3A, %mul3A_1 : i32
    "tpu.region"() ({
      %run_scoped3A = tpu.sem_alloc : memref<!tpu.dma_semaphore, #tpu.memory_space<semaphore_mem>>
      %dma_start3A_208 = arith.constant 0 : i32
      %dma_start3A_209 = tpu.memref_slice %arg2[%mul3A_2, %dma_start3A_208] : memref<128x128xi32, #tpu.memory_space<hbm>> -> memref<4x128xi32, #tpu.memory_space<hbm>>
      %dma_start3A_210 = arith.constant 0 : i32
      %dma_start3A_211 = tpu.memref_slice %arg2[%mul3A_2, %dma_start3A_210] : memref<128x128xi32, #tpu.memory_space<hbm>> -> memref<4x128xi32, #tpu.memory_space<hbm>>
      tpu.enqueue_dma source(%dma_start3A_211 : memref<4x128xi32, #tpu.memory_space<hbm>>) target(%arg9 : memref<4x128xi32, #tpu.memory_space<vmem>>) target_semaphore(%run_scoped3A : memref<!tpu.dma_semaphore, #tpu.memory_space<semaphore_mem>>)
      %dma_wait3A_212 = arith.constant 0 : i32
      %dma_wait3A_213 = tpu.memref_slice %arg2[%mul3A_2, %dma_wait3A_212] : memref<128x128xi32, #tpu.memory_space<hbm>> -> memref<4x128xi32, #tpu.memory_space<hbm>>
      %dma_wait3A_214 = arith.constant 0 : i32
      %dma_wait3A_215 = tpu.memref_slice %arg2[%mul3A_2, %dma_wait3A_214] : memref<128x128xi32, #tpu.memory_space<hbm>> -> memref<4x128xi32, #tpu.memory_space<hbm>>
      tpu.wait_dma2 semaphore(%run_scoped3A : memref<!tpu.dma_semaphore, #tpu.memory_space<semaphore_mem>>) src(%dma_wait3A_215 : memref<4x128xi32, #tpu.memory_space<hbm>>) dst(%arg9 : memref<4x128xi32, #tpu.memory_space<vmem>>)
      tpu.yield
    }) : () -> ()
    "tpu.region"() ({
      %run_scoped3A = tpu.sem_alloc : memref<!tpu.dma_semaphore, #tpu.memory_space<semaphore_mem>>
      %dma_start3A_208 = arith.constant 0 : i32
      %dma_start3A_209 = tpu.memref_slice %arg3[%mul3A_2, %dma_start3A_208] : memref<128x128xi32, #tpu.memory_space<hbm>> -> memref<4x128xi32, #tpu.memory_space<hbm>>
      %dma_start3A_210 = arith.constant 0 : i32
      %dma_start3A_211 = tpu.memref_slice %arg3[%mul3A_2, %dma_start3A_210] : memref<128x128xi32, #tpu.memory_space<hbm>> -> memref<4x128xi32, #tpu.memory_space<hbm>>
      tpu.enqueue_dma source(%dma_start3A_211 : memref<4x128xi32, #tpu.memory_space<hbm>>) target(%arg10 : memref<4x128xi32, #tpu.memory_space<vmem>>) target_semaphore(%run_scoped3A : memref<!tpu.dma_semaphore, #tpu.memory_space<semaphore_mem>>)
      %dma_wait3A_212 = arith.constant 0 : i32
      %dma_wait3A_213 = tpu.memref_slice %arg3[%mul3A_2, %dma_wait3A_212] : memref<128x128xi32, #tpu.memory_space<hbm>> -> memref<4x128xi32, #tpu.memory_space<hbm>>
      %dma_wait3A_214 = arith.constant 0 : i32
      %dma_wait3A_215 = tpu.memref_slice %arg3[%mul3A_2, %dma_wait3A_214] : memref<128x128xi32, #tpu.memory_space<hbm>> -> memref<4x128xi32, #tpu.memory_space<hbm>>
      tpu.wait_dma2 semaphore(%run_scoped3A : memref<!tpu.dma_semaphore, #tpu.memory_space<semaphore_mem>>) src(%dma_wait3A_215 : memref<4x128xi32, #tpu.memory_space<hbm>>) dst(%arg10 : memref<4x128xi32, #tpu.memory_space<vmem>>)
      tpu.yield
    }) : () -> ()
    %dma_start3A = arith.constant 0 : i32
    %dma_start3A_3 = arith.constant 0 : i32
    %dma_start3A_4 = arith.constant 0 : i32
    %dma_start3A_5 = tpu.memref_slice %arg13[%dma_start3A_4] : memref<512xf32, #tpu.memory_space<vmem>> -> memref<128xf32, #tpu.memory_space<vmem>>
    %dma_start3A_6 = arith.constant 0 : i32
    %dma_start3A_7 = tpu.memref_slice %arg9[%dma_start3A_3, %dma_start3A_6] : memref<4x128xi32, #tpu.memory_space<vmem>> -> memref<1x128xi32, #tpu.memory_space<vmem>>
    %dma_start3A_8 = tpu.memref_squeeze %dma_start3A_7 : memref<1x128xi32, #tpu.memory_space<vmem>> -> memref<128xi32, #tpu.memory_space<vmem>>
    %dma_start3A_9 = arith.constant 0 : i32
    %dma_start3A_10 = tpu.memref_slice %arg5[%dma_start3A, %dma_start3A_9] : memref<1x1000000xf32, #tpu.memory_space<hbm>> -> memref<1x1000000xf32, #tpu.memory_space<hbm>>
    %dma_start3A_11 = tpu.memref_squeeze %dma_start3A_10 : memref<1x1000000xf32, #tpu.memory_space<hbm>> -> memref<1000000xf32, #tpu.memory_space<hbm>>
    %dma_start3A_12 = arith.constant 0 : i32
    %dma_start3A_13 = tpu.memref_slice %dma_start3A_11[%dma_start3A_12] : memref<1000000xf32, #tpu.memory_space<hbm>> -> memref<1000000xf32, #tpu.memory_space<hbm>>
    tpu.enqueue_indirect_dma source(%dma_start3A_13 : memref<1000000xf32, #tpu.memory_space<hbm>>) target(%dma_start3A_5 : memref<128xf32, #tpu.memory_space<vmem>>) offsets(%dma_start3A_8 : memref<128xi32, #tpu.memory_space<vmem>>) semaphore(%arg16 : memref<!tpu.dma_semaphore, #tpu.memory_space<semaphore_mem>>)
    %dma_start3A_14 = arith.constant 0 : i32
    %dma_start3A_15 = arith.constant 0 : i32
    %dma_start3A_16 = arith.constant 0 : i32
    %dma_start3A_17 = tpu.memref_slice %arg14[%dma_start3A_16] : memref<512xf32, #tpu.memory_space<vmem>> -> memref<128xf32, #tpu.memory_space<vmem>>
    %dma_start3A_18 = arith.constant 0 : i32
    %dma_start3A_19 = tpu.memref_slice %arg10[%dma_start3A_15, %dma_start3A_18] : memref<4x128xi32, #tpu.memory_space<vmem>> -> memref<1x128xi32, #tpu.memory_space<vmem>>
    %dma_start3A_20 = tpu.memref_squeeze %dma_start3A_19 : memref<1x128xi32, #tpu.memory_space<vmem>> -> memref<128xi32, #tpu.memory_space<vmem>>
    %dma_start3A_21 = arith.constant 0 : i32
    %dma_start3A_22 = tpu.memref_slice %arg7[%dma_start3A_14, %dma_start3A_21] : memref<1x1000000xf32, #tpu.memory_space<hbm>> -> memref<1x1000000xf32, #tpu.memory_space<hbm>>
    %dma_start3A_23 = tpu.memref_squeeze %dma_start3A_22 : memref<1x1000000xf32, #tpu.memory_space<hbm>> -> memref<1000000xf32, #tpu.memory_space<hbm>>
    %dma_start3A_24 = arith.constant 0 : i32
    %dma_start3A_25 = tpu.memref_slice %dma_start3A_23[%dma_start3A_24] : memref<1000000xf32, #tpu.memory_space<hbm>> -> memref<1000000xf32, #tpu.memory_space<hbm>>
    tpu.enqueue_indirect_dma source(%dma_start3A_25 : memref<1000000xf32, #tpu.memory_space<hbm>>) target(%dma_start3A_17 : memref<128xf32, #tpu.memory_space<vmem>>) offsets(%dma_start3A_20 : memref<128xi32, #tpu.memory_space<vmem>>) semaphore(%arg16 : memref<!tpu.dma_semaphore, #tpu.memory_space<semaphore_mem>>)
    %dma_start3A_26 = arith.constant 0 : i32
    %dma_start3A_27 = arith.constant 1 : i32
    %dma_start3A_28 = arith.constant 128 : i32
    %dma_start3A_29 = tpu.memref_slice %arg13[%dma_start3A_28] : memref<512xf32, #tpu.memory_space<vmem>> -> memref<128xf32, #tpu.memory_space<vmem>>
    %dma_start3A_30 = arith.constant 0 : i32
    %dma_start3A_31 = tpu.memref_slice %arg9[%dma_start3A_27, %dma_start3A_30] : memref<4x128xi32, #tpu.memory_space<vmem>> -> memref<1x128xi32, #tpu.memory_space<vmem>>
    %dma_start3A_32 = tpu.memref_squeeze %dma_start3A_31 : memref<1x128xi32, #tpu.memory_space<vmem>> -> memref<128xi32, #tpu.memory_space<vmem>>
    %dma_start3A_33 = arith.constant 0 : i32
    %dma_start3A_34 = tpu.memref_slice %arg5[%dma_start3A_26, %dma_start3A_33] : memref<1x1000000xf32, #tpu.memory_space<hbm>> -> memref<1x1000000xf32, #tpu.memory_space<hbm>>
    %dma_start3A_35 = tpu.memref_squeeze %dma_start3A_34 : memref<1x1000000xf32, #tpu.memory_space<hbm>> -> memref<1000000xf32, #tpu.memory_space<hbm>>
    %dma_start3A_36 = arith.constant 0 : i32
    %dma_start3A_37 = tpu.memref_slice %dma_start3A_35[%dma_start3A_36] : memref<1000000xf32, #tpu.memory_space<hbm>> -> memref<1000000xf32, #tpu.memory_space<hbm>>
    tpu.enqueue_indirect_dma source(%dma_start3A_37 : memref<1000000xf32, #tpu.memory_space<hbm>>) target(%dma_start3A_29 : memref<128xf32, #tpu.memory_space<vmem>>) offsets(%dma_start3A_32 : memref<128xi32, #tpu.memory_space<vmem>>) semaphore(%arg16 : memref<!tpu.dma_semaphore, #tpu.memory_space<semaphore_mem>>)
    %dma_start3A_38 = arith.constant 0 : i32
    %dma_start3A_39 = arith.constant 1 : i32
    %dma_start3A_40 = arith.constant 128 : i32
    %dma_start3A_41 = tpu.memref_slice %arg14[%dma_start3A_40] : memref<512xf32, #tpu.memory_space<vmem>> -> memref<128xf32, #tpu.memory_space<vmem>>
    %dma_start3A_42 = arith.constant 0 : i32
    %dma_start3A_43 = tpu.memref_slice %arg10[%dma_start3A_39, %dma_start3A_42] : memref<4x128xi32, #tpu.memory_space<vmem>> -> memref<1x128xi32, #tpu.memory_space<vmem>>
    %dma_start3A_44 = tpu.memref_squeeze %dma_start3A_43 : memref<1x128xi32, #tpu.memory_space<vmem>> -> memref<128xi32, #tpu.memory_space<vmem>>
    %dma_start3A_45 = arith.constant 0 : i32
    %dma_start3A_46 = tpu.memref_slice %arg7[%dma_start3A_38, %dma_start3A_45] : memref<1x1000000xf32, #tpu.memory_space<hbm>> -> memref<1x1000000xf32, #tpu.memory_space<hbm>>
    %dma_start3A_47 = tpu.memref_squeeze %dma_start3A_46 : memref<1x1000000xf32, #tpu.memory_space<hbm>> -> memref<1000000xf32, #tpu.memory_space<hbm>>
    %dma_start3A_48 = arith.constant 0 : i32
    %dma_start3A_49 = tpu.memref_slice %dma_start3A_47[%dma_start3A_48] : memref<1000000xf32, #tpu.memory_space<hbm>> -> memref<1000000xf32, #tpu.memory_space<hbm>>
    tpu.enqueue_indirect_dma source(%dma_start3A_49 : memref<1000000xf32, #tpu.memory_space<hbm>>) target(%dma_start3A_41 : memref<128xf32, #tpu.memory_space<vmem>>) offsets(%dma_start3A_44 : memref<128xi32, #tpu.memory_space<vmem>>) semaphore(%arg16 : memref<!tpu.dma_semaphore, #tpu.memory_space<semaphore_mem>>)
    %dma_start3A_50 = arith.constant 0 : i32
    %dma_start3A_51 = arith.constant 2 : i32
    %dma_start3A_52 = arith.constant 256 : i32
    %dma_start3A_53 = tpu.memref_slice %arg13[%dma_start3A_52] : memref<512xf32, #tpu.memory_space<vmem>> -> memref<128xf32, #tpu.memory_space<vmem>>
    %dma_start3A_54 = arith.constant 0 : i32
    %dma_start3A_55 = tpu.memref_slice %arg9[%dma_start3A_51, %dma_start3A_54] : memref<4x128xi32, #tpu.memory_space<vmem>> -> memref<1x128xi32, #tpu.memory_space<vmem>>
    %dma_start3A_56 = tpu.memref_squeeze %dma_start3A_55 : memref<1x128xi32, #tpu.memory_space<vmem>> -> memref<128xi32, #tpu.memory_space<vmem>>
    %dma_start3A_57 = arith.constant 0 : i32
    %dma_start3A_58 = tpu.memref_slice %arg5[%dma_start3A_50, %dma_start3A_57] : memref<1x1000000xf32, #tpu.memory_space<hbm>> -> memref<1x1000000xf32, #tpu.memory_space<hbm>>
    %dma_start3A_59 = tpu.memref_squeeze %dma_start3A_58 : memref<1x1000000xf32, #tpu.memory_space<hbm>> -> memref<1000000xf32, #tpu.memory_space<hbm>>
    %dma_start3A_60 = arith.constant 0 : i32
    %dma_start3A_61 = tpu.memref_slice %dma_start3A_59[%dma_start3A_60] : memref<1000000xf32, #tpu.memory_space<hbm>> -> memref<1000000xf32, #tpu.memory_space<hbm>>
    tpu.enqueue_indirect_dma source(%dma_start3A_61 : memref<1000000xf32, #tpu.memory_space<hbm>>) target(%dma_start3A_53 : memref<128xf32, #tpu.memory_space<vmem>>) offsets(%dma_start3A_56 : memref<128xi32, #tpu.memory_space<vmem>>) semaphore(%arg16 : memref<!tpu.dma_semaphore, #tpu.memory_space<semaphore_mem>>)
    %dma_start3A_62 = arith.constant 0 : i32
    %dma_start3A_63 = arith.constant 2 : i32
    %dma_start3A_64 = arith.constant 256 : i32
    %dma_start3A_65 = tpu.memref_slice %arg14[%dma_start3A_64] : memref<512xf32, #tpu.memory_space<vmem>> -> memref<128xf32, #tpu.memory_space<vmem>>
    %dma_start3A_66 = arith.constant 0 : i32
    %dma_start3A_67 = tpu.memref_slice %arg10[%dma_start3A_63, %dma_start3A_66] : memref<4x128xi32, #tpu.memory_space<vmem>> -> memref<1x128xi32, #tpu.memory_space<vmem>>
    %dma_start3A_68 = tpu.memref_squeeze %dma_start3A_67 : memref<1x128xi32, #tpu.memory_space<vmem>> -> memref<128xi32, #tpu.memory_space<vmem>>
    %dma_start3A_69 = arith.constant 0 : i32
    %dma_start3A_70 = tpu.memref_slice %arg7[%dma_start3A_62, %dma_start3A_69] : memref<1x1000000xf32, #tpu.memory_space<hbm>> -> memref<1x1000000xf32, #tpu.memory_space<hbm>>
    %dma_start3A_71 = tpu.memref_squeeze %dma_start3A_70 : memref<1x1000000xf32, #tpu.memory_space<hbm>> -> memref<1000000xf32, #tpu.memory_space<hbm>>
    %dma_start3A_72 = arith.constant 0 : i32
    %dma_start3A_73 = tpu.memref_slice %dma_start3A_71[%dma_start3A_72] : memref<1000000xf32, #tpu.memory_space<hbm>> -> memref<1000000xf32, #tpu.memory_space<hbm>>
    tpu.enqueue_indirect_dma source(%dma_start3A_73 : memref<1000000xf32, #tpu.memory_space<hbm>>) target(%dma_start3A_65 : memref<128xf32, #tpu.memory_space<vmem>>) offsets(%dma_start3A_68 : memref<128xi32, #tpu.memory_space<vmem>>) semaphore(%arg16 : memref<!tpu.dma_semaphore, #tpu.memory_space<semaphore_mem>>)
    %dma_start3A_74 = arith.constant 0 : i32
    %dma_start3A_75 = arith.constant 3 : i32
    %dma_start3A_76 = arith.constant 384 : i32
    %dma_start3A_77 = tpu.memref_slice %arg13[%dma_start3A_76] : memref<512xf32, #tpu.memory_space<vmem>> -> memref<128xf32, #tpu.memory_space<vmem>>
    %dma_start3A_78 = arith.constant 0 : i32
    %dma_start3A_79 = tpu.memref_slice %arg9[%dma_start3A_75, %dma_start3A_78] : memref<4x128xi32, #tpu.memory_space<vmem>> -> memref<1x128xi32, #tpu.memory_space<vmem>>
    %dma_start3A_80 = tpu.memref_squeeze %dma_start3A_79 : memref<1x128xi32, #tpu.memory_space<vmem>> -> memref<128xi32, #tpu.memory_space<vmem>>
    %dma_start3A_81 = arith.constant 0 : i32
    %dma_start3A_82 = tpu.memref_slice %arg5[%dma_start3A_74, %dma_start3A_81] : memref<1x1000000xf32, #tpu.memory_space<hbm>> -> memref<1x1000000xf32, #tpu.memory_space<hbm>>
    %dma_start3A_83 = tpu.memref_squeeze %dma_start3A_82 : memref<1x1000000xf32, #tpu.memory_space<hbm>> -> memref<1000000xf32, #tpu.memory_space<hbm>>
    %dma_start3A_84 = arith.constant 0 : i32
    %dma_start3A_85 = tpu.memref_slice %dma_start3A_83[%dma_start3A_84] : memref<1000000xf32, #tpu.memory_space<hbm>> -> memref<1000000xf32, #tpu.memory_space<hbm>>
    tpu.enqueue_indirect_dma source(%dma_start3A_85 : memref<1000000xf32, #tpu.memory_space<hbm>>) target(%dma_start3A_77 : memref<128xf32, #tpu.memory_space<vmem>>) offsets(%dma_start3A_80 : memref<128xi32, #tpu.memory_space<vmem>>) semaphore(%arg16 : memref<!tpu.dma_semaphore, #tpu.memory_space<semaphore_mem>>)
    %dma_start3A_86 = arith.constant 0 : i32
    %dma_start3A_87 = arith.constant 3 : i32
    %dma_start3A_88 = arith.constant 384 : i32
    %dma_start3A_89 = tpu.memref_slice %arg14[%dma_start3A_88] : memref<512xf32, #tpu.memory_space<vmem>> -> memref<128xf32, #tpu.memory_space<vmem>>
    %dma_start3A_90 = arith.constant 0 : i32
    %dma_start3A_91 = tpu.memref_slice %arg10[%dma_start3A_87, %dma_start3A_90] : memref<4x128xi32, #tpu.memory_space<vmem>> -> memref<1x128xi32, #tpu.memory_space<vmem>>
    %dma_start3A_92 = tpu.memref_squeeze %dma_start3A_91 : memref<1x128xi32, #tpu.memory_space<vmem>> -> memref<128xi32, #tpu.memory_space<vmem>>
    %dma_start3A_93 = arith.constant 0 : i32
    %dma_start3A_94 = tpu.memref_slice %arg7[%dma_start3A_86, %dma_start3A_93] : memref<1x1000000xf32, #tpu.memory_space<hbm>> -> memref<1x1000000xf32, #tpu.memory_space<hbm>>
    %dma_start3A_95 = tpu.memref_squeeze %dma_start3A_94 : memref<1x1000000xf32, #tpu.memory_space<hbm>> -> memref<1000000xf32, #tpu.memory_space<hbm>>
    %dma_start3A_96 = arith.constant 0 : i32
    %dma_start3A_97 = tpu.memref_slice %dma_start3A_95[%dma_start3A_96] : memref<1000000xf32, #tpu.memory_space<hbm>> -> memref<1000000xf32, #tpu.memory_space<hbm>>
    tpu.enqueue_indirect_dma source(%dma_start3A_97 : memref<1000000xf32, #tpu.memory_space<hbm>>) target(%dma_start3A_89 : memref<128xf32, #tpu.memory_space<vmem>>) offsets(%dma_start3A_92 : memref<128xi32, #tpu.memory_space<vmem>>) semaphore(%arg16 : memref<!tpu.dma_semaphore, #tpu.memory_space<semaphore_mem>>)
    %scan3A = arith.constant 0 : i32
    %scan3A_98 = arith.constant 0 : i32
    %scan3A_99 = arith.constant 64 : i32
    %scan3A_100 = arith.addi %scan3A_98, %scan3A_99 : i32
    %scan3A_101 = arith.constant 1 : i32
    %scan3A_102 = scf.for %scan3A_208 = %scan3A_98 to %scan3A_100 step %scan3A_101 iter_args(%scan3A_209 = %scan3A) -> (i32)  : i32 {
      %dma_start3A_210 = arith.constant 0 : i32
      %dma_start3A_211 = arith.constant 0 : i32
      %dma_start3A_212 = tpu.memref_slice %arg11[%scan3A_208, %dma_start3A_211] : memref<64x512xf32, #tpu.memory_space<vmem>> -> memref<1x128xf32, #tpu.memory_space<vmem>>
      %dma_start3A_213 = tpu.memref_squeeze %dma_start3A_212 : memref<1x128xf32, #tpu.memory_space<vmem>> -> memref<128xf32, #tpu.memory_space<vmem>>
      %dma_start3A_214 = arith.constant 0 : i32
      %dma_start3A_215 = tpu.memref_slice %arg9[%dma_start3A_210, %dma_start3A_214] : memref<4x128xi32, #tpu.memory_space<vmem>> -> memref<1x128xi32, #tpu.memory_space<vmem>>
      %dma_start3A_216 = tpu.memref_squeeze %dma_start3A_215 : memref<1x128xi32, #tpu.memory_space<vmem>> -> memref<128xi32, #tpu.memory_space<vmem>>
      %dma_start3A_217 = arith.constant 0 : i32
      %dma_start3A_218 = tpu.memref_slice %arg4[%scan3A_208, %dma_start3A_217] : memref<64x1000000xf32, #tpu.memory_space<hbm>> -> memref<1x1000000xf32, #tpu.memory_space<hbm>>
      %dma_start3A_219 = tpu.memref_squeeze %dma_start3A_218 : memref<1x1000000xf32, #tpu.memory_space<hbm>> -> memref<1000000xf32, #tpu.memory_space<hbm>>
      %dma_start3A_220 = arith.constant 0 : i32
      %dma_start3A_221 = tpu.memref_slice %dma_start3A_219[%dma_start3A_220] : memref<1000000xf32, #tpu.memory_space<hbm>> -> memref<1000000xf32, #tpu.memory_space<hbm>>
      tpu.enqueue_indirect_dma source(%dma_start3A_221 : memref<1000000xf32, #tpu.memory_space<hbm>>) target(%dma_start3A_213 : memref<128xf32, #tpu.memory_space<vmem>>) offsets(%dma_start3A_216 : memref<128xi32, #tpu.memory_space<vmem>>) semaphore(%arg17 : memref<!tpu.dma_semaphore, #tpu.memory_space<semaphore_mem>>)
      %dma_start3A_222 = arith.constant 0 : i32
      %dma_start3A_223 = arith.constant 0 : i32
      %dma_start3A_224 = tpu.memref_slice %arg12[%scan3A_208, %dma_start3A_223] : memref<64x512xf32, #tpu.memory_space<vmem>> -> memref<1x128xf32, #tpu.memory_space<vmem>>
      %dma_start3A_225 = tpu.memref_squeeze %dma_start3A_224 : memref<1x128xf32, #tpu.memory_space<vmem>> -> memref<128xf32, #tpu.memory_space<vmem>>
      %dma_start3A_226 = arith.constant 0 : i32
      %dma_start3A_227 = tpu.memref_slice %arg10[%dma_start3A_222, %dma_start3A_226] : memref<4x128xi32, #tpu.memory_space<vmem>> -> memref<1x128xi32, #tpu.memory_space<vmem>>
      %dma_start3A_228 = tpu.memref_squeeze %dma_start3A_227 : memref<1x128xi32, #tpu.memory_space<vmem>> -> memref<128xi32, #tpu.memory_space<vmem>>
      %dma_start3A_229 = arith.constant 0 : i32
      %dma_start3A_230 = tpu.memref_slice %arg6[%scan3A_208, %dma_start3A_229] : memref<64x1000000xf32, #tpu.memory_space<hbm>> -> memref<1x1000000xf32, #tpu.memory_space<hbm>>
      %dma_start3A_231 = tpu.memref_squeeze %dma_start3A_230 : memref<1x1000000xf32, #tpu.memory_space<hbm>> -> memref<1000000xf32, #tpu.memory_space<hbm>>
      %dma_start3A_232 = arith.constant 0 : i32
      %dma_start3A_233 = tpu.memref_slice %dma_start3A_231[%dma_start3A_232] : memref<1000000xf32, #tpu.memory_space<hbm>> -> memref<1000000xf32, #tpu.memory_space<hbm>>
      tpu.enqueue_indirect_dma source(%dma_start3A_233 : memref<1000000xf32, #tpu.memory_space<hbm>>) target(%dma_start3A_225 : memref<128xf32, #tpu.memory_space<vmem>>) offsets(%dma_start3A_228 : memref<128xi32, #tpu.memory_space<vmem>>) semaphore(%arg17 : memref<!tpu.dma_semaphore, #tpu.memory_space<semaphore_mem>>)
      %dma_start3A_234 = arith.constant 1 : i32
      %dma_start3A_235 = arith.constant 128 : i32
      %dma_start3A_236 = tpu.memref_slice %arg11[%scan3A_208, %dma_start3A_235] : memref<64x512xf32, #tpu.memory_space<vmem>> -> memref<1x128xf32, #tpu.memory_space<vmem>>
      %dma_start3A_237 = tpu.memref_squeeze %dma_start3A_236 : memref<1x128xf32, #tpu.memory_space<vmem>> -> memref<128xf32, #tpu.memory_space<vmem>>
      %dma_start3A_238 = arith.constant 0 : i32
      %dma_start3A_239 = tpu.memref_slice %arg9[%dma_start3A_234, %dma_start3A_238] : memref<4x128xi32, #tpu.memory_space<vmem>> -> memref<1x128xi32, #tpu.memory_space<vmem>>
      %dma_start3A_240 = tpu.memref_squeeze %dma_start3A_239 : memref<1x128xi32, #tpu.memory_space<vmem>> -> memref<128xi32, #tpu.memory_space<vmem>>
      %dma_start3A_241 = arith.constant 0 : i32
      %dma_start3A_242 = tpu.memref_slice %arg4[%scan3A_208, %dma_start3A_241] : memref<64x1000000xf32, #tpu.memory_space<hbm>> -> memref<1x1000000xf32, #tpu.memory_space<hbm>>
      %dma_start3A_243 = tpu.memref_squeeze %dma_start3A_242 : memref<1x1000000xf32, #tpu.memory_space<hbm>> -> memref<1000000xf32, #tpu.memory_space<hbm>>
      %dma_start3A_244 = arith.constant 0 : i32
      %dma_start3A_245 = tpu.memref_slice %dma_start3A_243[%dma_start3A_244] : memref<1000000xf32, #tpu.memory_space<hbm>> -> memref<1000000xf32, #tpu.memory_space<hbm>>
      tpu.enqueue_indirect_dma source(%dma_start3A_245 : memref<1000000xf32, #tpu.memory_space<hbm>>) target(%dma_start3A_237 : memref<128xf32, #tpu.memory_space<vmem>>) offsets(%dma_start3A_240 : memref<128xi32, #tpu.memory_space<vmem>>) semaphore(%arg17 : memref<!tpu.dma_semaphore, #tpu.memory_space<semaphore_mem>>)
      %dma_start3A_246 = arith.constant 1 : i32
      %dma_start3A_247 = arith.constant 128 : i32
      %dma_start3A_248 = tpu.memref_slice %arg12[%scan3A_208, %dma_start3A_247] : memref<64x512xf32, #tpu.memory_space<vmem>> -> memref<1x128xf32, #tpu.memory_space<vmem>>
      %dma_start3A_249 = tpu.memref_squeeze %dma_start3A_248 : memref<1x128xf32, #tpu.memory_space<vmem>> -> memref<128xf32, #tpu.memory_space<vmem>>
      %dma_start3A_250 = arith.constant 0 : i32
      %dma_start3A_251 = tpu.memref_slice %arg10[%dma_start3A_246, %dma_start3A_250] : memref<4x128xi32, #tpu.memory_space<vmem>> -> memref<1x128xi32, #tpu.memory_space<vmem>>
      %dma_start3A_252 = tpu.memref_squeeze %dma_start3A_251 : memref<1x128xi32, #tpu.memory_space<vmem>> -> memref<128xi32, #tpu.memory_space<vmem>>
      %dma_start3A_253 = arith.constant 0 : i32
      %dma_start3A_254 = tpu.memref_slice %arg6[%scan3A_208, %dma_start3A_253] : memref<64x1000000xf32, #tpu.memory_space<hbm>> -> memref<1x1000000xf32, #tpu.memory_space<hbm>>
      %dma_start3A_255 = tpu.memref_squeeze %dma_start3A_254 : memref<1x1000000xf32, #tpu.memory_space<hbm>> -> memref<1000000xf32, #tpu.memory_space<hbm>>
      %dma_start3A_256 = arith.constant 0 : i32
      %dma_start3A_257 = tpu.memref_slice %dma_start3A_255[%dma_start3A_256] : memref<1000000xf32, #tpu.memory_space<hbm>> -> memref<1000000xf32, #tpu.memory_space<hbm>>
      tpu.enqueue_indirect_dma source(%dma_start3A_257 : memref<1000000xf32, #tpu.memory_space<hbm>>) target(%dma_start3A_249 : memref<128xf32, #tpu.memory_space<vmem>>) offsets(%dma_start3A_252 : memref<128xi32, #tpu.memory_space<vmem>>) semaphore(%arg17 : memref<!tpu.dma_semaphore, #tpu.memory_space<semaphore_mem>>)
      %dma_start3A_258 = arith.constant 2 : i32
      %dma_start3A_259 = arith.constant 256 : i32
      %dma_start3A_260 = tpu.memref_slice %arg11[%scan3A_208, %dma_start3A_259] : memref<64x512xf32, #tpu.memory_space<vmem>> -> memref<1x128xf32, #tpu.memory_space<vmem>>
      %dma_start3A_261 = tpu.memref_squeeze %dma_start3A_260 : memref<1x128xf32, #tpu.memory_space<vmem>> -> memref<128xf32, #tpu.memory_space<vmem>>
      %dma_start3A_262 = arith.constant 0 : i32
      %dma_start3A_263 = tpu.memref_slice %arg9[%dma_start3A_258, %dma_start3A_262] : memref<4x128xi32, #tpu.memory_space<vmem>> -> memref<1x128xi32, #tpu.memory_space<vmem>>
      %dma_start3A_264 = tpu.memref_squeeze %dma_start3A_263 : memref<1x128xi32, #tpu.memory_space<vmem>> -> memref<128xi32, #tpu.memory_space<vmem>>
      %dma_start3A_265 = arith.constant 0 : i32
      %dma_start3A_266 = tpu.memref_slice %arg4[%scan3A_208, %dma_start3A_265] : memref<64x1000000xf32, #tpu.memory_space<hbm>> -> memref<1x1000000xf32, #tpu.memory_space<hbm>>
      %dma_start3A_267 = tpu.memref_squeeze %dma_start3A_266 : memref<1x1000000xf32, #tpu.memory_space<hbm>> -> memref<1000000xf32, #tpu.memory_space<hbm>>
      %dma_start3A_268 = arith.constant 0 : i32
      %dma_start3A_269 = tpu.memref_slice %dma_start3A_267[%dma_start3A_268] : memref<1000000xf32, #tpu.memory_space<hbm>> -> memref<1000000xf32, #tpu.memory_space<hbm>>
      tpu.enqueue_indirect_dma source(%dma_start3A_269 : memref<1000000xf32, #tpu.memory_space<hbm>>) target(%dma_start3A_261 : memref<128xf32, #tpu.memory_space<vmem>>) offsets(%dma_start3A_264 : memref<128xi32, #tpu.memory_space<vmem>>) semaphore(%arg17 : memref<!tpu.dma_semaphore, #tpu.memory_space<semaphore_mem>>)
      %dma_start3A_270 = arith.constant 2 : i32
      %dma_start3A_271 = arith.constant 256 : i32
      %dma_start3A_272 = tpu.memref_slice %arg12[%scan3A_208, %dma_start3A_271] : memref<64x512xf32, #tpu.memory_space<vmem>> -> memref<1x128xf32, #tpu.memory_space<vmem>>
      %dma_start3A_273 = tpu.memref_squeeze %dma_start3A_272 : memref<1x128xf32, #tpu.memory_space<vmem>> -> memref<128xf32, #tpu.memory_space<vmem>>
      %dma_start3A_274 = arith.constant 0 : i32
      %dma_start3A_275 = tpu.memref_slice %arg10[%dma_start3A_270, %dma_start3A_274] : memref<4x128xi32, #tpu.memory_space<vmem>> -> memref<1x128xi32, #tpu.memory_space<vmem>>
      %dma_start3A_276 = tpu.memref_squeeze %dma_start3A_275 : memref<1x128xi32, #tpu.memory_space<vmem>> -> memref<128xi32, #tpu.memory_space<vmem>>
      %dma_start3A_277 = arith.constant 0 : i32
      %dma_start3A_278 = tpu.memref_slice %arg6[%scan3A_208, %dma_start3A_277] : memref<64x1000000xf32, #tpu.memory_space<hbm>> -> memref<1x1000000xf32, #tpu.memory_space<hbm>>
      %dma_start3A_279 = tpu.memref_squeeze %dma_start3A_278 : memref<1x1000000xf32, #tpu.memory_space<hbm>> -> memref<1000000xf32, #tpu.memory_space<hbm>>
      %dma_start3A_280 = arith.constant 0 : i32
      %dma_start3A_281 = tpu.memref_slice %dma_start3A_279[%dma_start3A_280] : memref<1000000xf32, #tpu.memory_space<hbm>> -> memref<1000000xf32, #tpu.memory_space<hbm>>
      tpu.enqueue_indirect_dma source(%dma_start3A_281 : memref<1000000xf32, #tpu.memory_space<hbm>>) target(%dma_start3A_273 : memref<128xf32, #tpu.memory_space<vmem>>) offsets(%dma_start3A_276 : memref<128xi32, #tpu.memory_space<vmem>>) semaphore(%arg17 : memref<!tpu.dma_semaphore, #tpu.memory_space<semaphore_mem>>)
      %dma_start3A_282 = arith.constant 3 : i32
      %dma_start3A_283 = arith.constant 384 : i32
      %dma_start3A_284 = tpu.memref_slice %arg11[%scan3A_208, %dma_start3A_283] : memref<64x512xf32, #tpu.memory_space<vmem>> -> memref<1x128xf32, #tpu.memory_space<vmem>>
      %dma_start3A_285 = tpu.memref_squeeze %dma_start3A_284 : memref<1x128xf32, #tpu.memory_space<vmem>> -> memref<128xf32, #tpu.memory_space<vmem>>
      %dma_start3A_286 = arith.constant 0 : i32
      %dma_start3A_287 = tpu.memref_slice %arg9[%dma_start3A_282, %dma_start3A_286] : memref<4x128xi32, #tpu.memory_space<vmem>> -> memref<1x128xi32, #tpu.memory_space<vmem>>
      %dma_start3A_288 = tpu.memref_squeeze %dma_start3A_287 : memref<1x128xi32, #tpu.memory_space<vmem>> -> memref<128xi32, #tpu.memory_space<vmem>>
      %dma_start3A_289 = arith.constant 0 : i32
      %dma_start3A_290 = tpu.memref_slice %arg4[%scan3A_208, %dma_start3A_289] : memref<64x1000000xf32, #tpu.memory_space<hbm>> -> memref<1x1000000xf32, #tpu.memory_space<hbm>>
      %dma_start3A_291 = tpu.memref_squeeze %dma_start3A_290 : memref<1x1000000xf32, #tpu.memory_space<hbm>> -> memref<1000000xf32, #tpu.memory_space<hbm>>
      %dma_start3A_292 = arith.constant 0 : i32
      %dma_start3A_293 = tpu.memref_slice %dma_start3A_291[%dma_start3A_292] : memref<1000000xf32, #tpu.memory_space<hbm>> -> memref<1000000xf32, #tpu.memory_space<hbm>>
      tpu.enqueue_indirect_dma source(%dma_start3A_293 : memref<1000000xf32, #tpu.memory_space<hbm>>) target(%dma_start3A_285 : memref<128xf32, #tpu.memory_space<vmem>>) offsets(%dma_start3A_288 : memref<128xi32, #tpu.memory_space<vmem>>) semaphore(%arg17 : memref<!tpu.dma_semaphore, #tpu.memory_space<semaphore_mem>>)
      %dma_start3A_294 = arith.constant 3 : i32
      %dma_start3A_295 = arith.constant 384 : i32
      %dma_start3A_296 = tpu.memref_slice %arg12[%scan3A_208, %dma_start3A_295] : memref<64x512xf32, #tpu.memory_space<vmem>> -> memref<1x128xf32, #tpu.memory_space<vmem>>
      %dma_start3A_297 = tpu.memref_squeeze %dma_start3A_296 : memref<1x128xf32, #tpu.memory_space<vmem>> -> memref<128xf32, #tpu.memory_space<vmem>>
      %dma_start3A_298 = arith.constant 0 : i32
      %dma_start3A_299 = tpu.memref_slice %arg10[%dma_start3A_294, %dma_start3A_298] : memref<4x128xi32, #tpu.memory_space<vmem>> -> memref<1x128xi32, #tpu.memory_space<vmem>>
      %dma_start3A_300 = tpu.memref_squeeze %dma_start3A_299 : memref<1x128xi32, #tpu.memory_space<vmem>> -> memref<128xi32, #tpu.memory_space<vmem>>
      %dma_start3A_301 = arith.constant 0 : i32
      %dma_start3A_302 = tpu.memref_slice %arg6[%scan3A_208, %dma_start3A_301] : memref<64x1000000xf32, #tpu.memory_space<hbm>> -> memref<1x1000000xf32, #tpu.memory_space<hbm>>
      %dma_start3A_303 = tpu.memref_squeeze %dma_start3A_302 : memref<1x1000000xf32, #tpu.memory_space<hbm>> -> memref<1000000xf32, #tpu.memory_space<hbm>>
      %dma_start3A_304 = arith.constant 0 : i32
      %dma_start3A_305 = tpu.memref_slice %dma_start3A_303[%dma_start3A_304] : memref<1000000xf32, #tpu.memory_space<hbm>> -> memref<1000000xf32, #tpu.memory_space<hbm>>
      tpu.enqueue_indirect_dma source(%dma_start3A_305 : memref<1000000xf32, #tpu.memory_space<hbm>>) target(%dma_start3A_297 : memref<128xf32, #tpu.memory_space<vmem>>) offsets(%dma_start3A_300 : memref<128xi32, #tpu.memory_space<vmem>>) semaphore(%arg17 : memref<!tpu.dma_semaphore, #tpu.memory_space<semaphore_mem>>)
      %dma_wait3A_306 = arith.constant 0 : i32
      %dma_wait3A_307 = arith.constant 0 : i32
      %dma_wait3A_308 = tpu.memref_slice %arg11[%scan3A_208, %dma_wait3A_307] : memref<64x512xf32, #tpu.memory_space<vmem>> -> memref<1x128xf32, #tpu.memory_space<vmem>>
      %dma_wait3A_309 = tpu.memref_squeeze %dma_wait3A_308 : memref<1x128xf32, #tpu.memory_space<vmem>> -> memref<128xf32, #tpu.memory_space<vmem>>
      %dma_wait3A_310 = arith.constant 0 : i32
      %dma_wait3A_311 = tpu.memref_slice %arg9[%dma_wait3A_306, %dma_wait3A_310] : memref<4x128xi32, #tpu.memory_space<vmem>> -> memref<1x128xi32, #tpu.memory_space<vmem>>
      %dma_wait3A_312 = tpu.memref_squeeze %dma_wait3A_311 : memref<1x128xi32, #tpu.memory_space<vmem>> -> memref<128xi32, #tpu.memory_space<vmem>>
      %dma_wait3A_313 = arith.constant 0 : i32
      %dma_wait3A_314 = tpu.memref_slice %arg4[%scan3A_208, %dma_wait3A_313] : memref<64x1000000xf32, #tpu.memory_space<hbm>> -> memref<1x1000000xf32, #tpu.memory_space<hbm>>
      %dma_wait3A_315 = tpu.memref_squeeze %dma_wait3A_314 : memref<1x1000000xf32, #tpu.memory_space<hbm>> -> memref<1000000xf32, #tpu.memory_space<hbm>>
      %dma_wait3A_316 = arith.constant 0 : i32
      %dma_wait3A_317 = tpu.memref_slice %dma_wait3A_315[%dma_wait3A_316] : memref<1000000xf32, #tpu.memory_space<hbm>> -> memref<1000000xf32, #tpu.memory_space<hbm>>
      tpu.wait_indirect_dma semaphore(%arg17 : memref<!tpu.dma_semaphore, #tpu.memory_space<semaphore_mem>>) src(%dma_wait3A_317 : memref<1000000xf32, #tpu.memory_space<hbm>>) dst(%dma_wait3A_309 : memref<128xf32, #tpu.memory_space<vmem>>)
      %dma_wait3A_318 = arith.constant 0 : i32
      %dma_wait3A_319 = arith.constant 0 : i32
      %dma_wait3A_320 = tpu.memref_slice %arg12[%scan3A_208, %dma_wait3A_319] : memref<64x512xf32, #tpu.memory_space<vmem>> -> memref<1x128xf32, #tpu.memory_space<vmem>>
      %dma_wait3A_321 = tpu.memref_squeeze %dma_wait3A_320 : memref<1x128xf32, #tpu.memory_space<vmem>> -> memref<128xf32, #tpu.memory_space<vmem>>
      %dma_wait3A_322 = arith.constant 0 : i32
      %dma_wait3A_323 = tpu.memref_slice %arg10[%dma_wait3A_318, %dma_wait3A_322] : memref<4x128xi32, #tpu.memory_space<vmem>> -> memref<1x128xi32, #tpu.memory_space<vmem>>
      %dma_wait3A_324 = tpu.memref_squeeze %dma_wait3A_323 : memref<1x128xi32, #tpu.memory_space<vmem>> -> memref<128xi32, #tpu.memory_space<vmem>>
      %dma_wait3A_325 = arith.constant 0 : i32
      %dma_wait3A_326 = tpu.memref_slice %arg6[%scan3A_208, %dma_wait3A_325] : memref<64x1000000xf32, #tpu.memory_space<hbm>> -> memref<1x1000000xf32, #tpu.memory_space<hbm>>
      %dma_wait3A_327 = tpu.memref_squeeze %dma_wait3A_326 : memref<1x1000000xf32, #tpu.memory_space<hbm>> -> memref<1000000xf32, #tpu.memory_space<hbm>>
      %dma_wait3A_328 = arith.constant 0 : i32
      %dma_wait3A_329 = tpu.memref_slice %dma_wait3A_327[%dma_wait3A_328] : memref<1000000xf32, #tpu.memory_space<hbm>> -> memref<1000000xf32, #tpu.memory_space<hbm>>
      tpu.wait_indirect_dma semaphore(%arg17 : memref<!tpu.dma_semaphore, #tpu.memory_space<semaphore_mem>>) src(%dma_wait3A_329 : memref<1000000xf32, #tpu.memory_space<hbm>>) dst(%dma_wait3A_321 : memref<128xf32, #tpu.memory_space<vmem>>)
      %dma_wait3A_330 = arith.constant 1 : i32
      %dma_wait3A_331 = arith.constant 128 : i32
      %dma_wait3A_332 = tpu.memref_slice %arg11[%scan3A_208, %dma_wait3A_331] : memref<64x512xf32, #tpu.memory_space<vmem>> -> memref<1x128xf32, #tpu.memory_space<vmem>>
      %dma_wait3A_333 = tpu.memref_squeeze %dma_wait3A_332 : memref<1x128xf32, #tpu.memory_space<vmem>> -> memref<128xf32, #tpu.memory_space<vmem>>
      %dma_wait3A_334 = arith.constant 0 : i32
      %dma_wait3A_335 = tpu.memref_slice %arg9[%dma_wait3A_330, %dma_wait3A_334] : memref<4x128xi32, #tpu.memory_space<vmem>> -> memref<1x128xi32, #tpu.memory_space<vmem>>
      %dma_wait3A_336 = tpu.memref_squeeze %dma_wait3A_335 : memref<1x128xi32, #tpu.memory_space<vmem>> -> memref<128xi32, #tpu.memory_space<vmem>>
      %dma_wait3A_337 = arith.constant 0 : i32
      %dma_wait3A_338 = tpu.memref_slice %arg4[%scan3A_208, %dma_wait3A_337] : memref<64x1000000xf32, #tpu.memory_space<hbm>> -> memref<1x1000000xf32, #tpu.memory_space<hbm>>
      %dma_wait3A_339 = tpu.memref_squeeze %dma_wait3A_338 : memref<1x1000000xf32, #tpu.memory_space<hbm>> -> memref<1000000xf32, #tpu.memory_space<hbm>>
      %dma_wait3A_340 = arith.constant 0 : i32
      %dma_wait3A_341 = tpu.memref_slice %dma_wait3A_339[%dma_wait3A_340] : memref<1000000xf32, #tpu.memory_space<hbm>> -> memref<1000000xf32, #tpu.memory_space<hbm>>
      tpu.wait_indirect_dma semaphore(%arg17 : memref<!tpu.dma_semaphore, #tpu.memory_space<semaphore_mem>>) src(%dma_wait3A_341 : memref<1000000xf32, #tpu.memory_space<hbm>>) dst(%dma_wait3A_333 : memref<128xf32, #tpu.memory_space<vmem>>)
      %dma_wait3A_342 = arith.constant 1 : i32
      %dma_wait3A_343 = arith.constant 128 : i32
      %dma_wait3A_344 = tpu.memref_slice %arg12[%scan3A_208, %dma_wait3A_343] : memref<64x512xf32, #tpu.memory_space<vmem>> -> memref<1x128xf32, #tpu.memory_space<vmem>>
      %dma_wait3A_345 = tpu.memref_squeeze %dma_wait3A_344 : memref<1x128xf32, #tpu.memory_space<vmem>> -> memref<128xf32, #tpu.memory_space<vmem>>
      %dma_wait3A_346 = arith.constant 0 : i32
      %dma_wait3A_347 = tpu.memref_slice %arg10[%dma_wait3A_342, %dma_wait3A_346] : memref<4x128xi32, #tpu.memory_space<vmem>> -> memref<1x128xi32, #tpu.memory_space<vmem>>
      %dma_wait3A_348 = tpu.memref_squeeze %dma_wait3A_347 : memref<1x128xi32, #tpu.memory_space<vmem>> -> memref<128xi32, #tpu.memory_space<vmem>>
      %dma_wait3A_349 = arith.constant 0 : i32
      %dma_wait3A_350 = tpu.memref_slice %arg6[%scan3A_208, %dma_wait3A_349] : memref<64x1000000xf32, #tpu.memory_space<hbm>> -> memref<1x1000000xf32, #tpu.memory_space<hbm>>
      %dma_wait3A_351 = tpu.memref_squeeze %dma_wait3A_350 : memref<1x1000000xf32, #tpu.memory_space<hbm>> -> memref<1000000xf32, #tpu.memory_space<hbm>>
      %dma_wait3A_352 = arith.constant 0 : i32
      %dma_wait3A_353 = tpu.memref_slice %dma_wait3A_351[%dma_wait3A_352] : memref<1000000xf32, #tpu.memory_space<hbm>> -> memref<1000000xf32, #tpu.memory_space<hbm>>
      tpu.wait_indirect_dma semaphore(%arg17 : memref<!tpu.dma_semaphore, #tpu.memory_space<semaphore_mem>>) src(%dma_wait3A_353 : memref<1000000xf32, #tpu.memory_space<hbm>>) dst(%dma_wait3A_345 : memref<128xf32, #tpu.memory_space<vmem>>)
      %dma_wait3A_354 = arith.constant 2 : i32
      %dma_wait3A_355 = arith.constant 256 : i32
      %dma_wait3A_356 = tpu.memref_slice %arg11[%scan3A_208, %dma_wait3A_355] : memref<64x512xf32, #tpu.memory_space<vmem>> -> memref<1x128xf32, #tpu.memory_space<vmem>>
      %dma_wait3A_357 = tpu.memref_squeeze %dma_wait3A_356 : memref<1x128xf32, #tpu.memory_space<vmem>> -> memref<128xf32, #tpu.memory_space<vmem>>
      %dma_wait3A_358 = arith.constant 0 : i32
      %dma_wait3A_359 = tpu.memref_slice %arg9[%dma_wait3A_354, %dma_wait3A_358] : memref<4x128xi32, #tpu.memory_space<vmem>> -> memref<1x128xi32, #tpu.memory_space<vmem>>
      %dma_wait3A_360 = tpu.memref_squeeze %dma_wait3A_359 : memref<1x128xi32, #tpu.memory_space<vmem>> -> memref<128xi32, #tpu.memory_space<vmem>>
      %dma_wait3A_361 = arith.constant 0 : i32
      %dma_wait3A_362 = tpu.memref_slice %arg4[%scan3A_208, %dma_wait3A_361] : memref<64x1000000xf32, #tpu.memory_space<hbm>> -> memref<1x1000000xf32, #tpu.memory_space<hbm>>
      %dma_wait3A_363 = tpu.memref_squeeze %dma_wait3A_362 : memref<1x1000000xf32, #tpu.memory_space<hbm>> -> memref<1000000xf32, #tpu.memory_space<hbm>>
      %dma_wait3A_364 = arith.constant 0 : i32
      %dma_wait3A_365 = tpu.memref_slice %dma_wait3A_363[%dma_wait3A_364] : memref<1000000xf32, #tpu.memory_space<hbm>> -> memref<1000000xf32, #tpu.memory_space<hbm>>
      tpu.wait_indirect_dma semaphore(%arg17 : memref<!tpu.dma_semaphore, #tpu.memory_space<semaphore_mem>>) src(%dma_wait3A_365 : memref<1000000xf32, #tpu.memory_space<hbm>>) dst(%dma_wait3A_357 : memref<128xf32, #tpu.memory_space<vmem>>)
      %dma_wait3A_366 = arith.constant 2 : i32
      %dma_wait3A_367 = arith.constant 256 : i32
      %dma_wait3A_368 = tpu.memref_slice %arg12[%scan3A_208, %dma_wait3A_367] : memref<64x512xf32, #tpu.memory_space<vmem>> -> memref<1x128xf32, #tpu.memory_space<vmem>>
      %dma_wait3A_369 = tpu.memref_squeeze %dma_wait3A_368 : memref<1x128xf32, #tpu.memory_space<vmem>> -> memref<128xf32, #tpu.memory_space<vmem>>
      %dma_wait3A_370 = arith.constant 0 : i32
      %dma_wait3A_371 = tpu.memref_slice %arg10[%dma_wait3A_366, %dma_wait3A_370] : memref<4x128xi32, #tpu.memory_space<vmem>> -> memref<1x128xi32, #tpu.memory_space<vmem>>
      %dma_wait3A_372 = tpu.memref_squeeze %dma_wait3A_371 : memref<1x128xi32, #tpu.memory_space<vmem>> -> memref<128xi32, #tpu.memory_space<vmem>>
      %dma_wait3A_373 = arith.constant 0 : i32
      %dma_wait3A_374 = tpu.memref_slice %arg6[%scan3A_208, %dma_wait3A_373] : memref<64x1000000xf32, #tpu.memory_space<hbm>> -> memref<1x1000000xf32, #tpu.memory_space<hbm>>
      %dma_wait3A_375 = tpu.memref_squeeze %dma_wait3A_374 : memref<1x1000000xf32, #tpu.memory_space<hbm>> -> memref<1000000xf32, #tpu.memory_space<hbm>>
      %dma_wait3A_376 = arith.constant 0 : i32
      %dma_wait3A_377 = tpu.memref_slice %dma_wait3A_375[%dma_wait3A_376] : memref<1000000xf32, #tpu.memory_space<hbm>> -> memref<1000000xf32, #tpu.memory_space<hbm>>
      tpu.wait_indirect_dma semaphore(%arg17 : memref<!tpu.dma_semaphore, #tpu.memory_space<semaphore_mem>>) src(%dma_wait3A_377 : memref<1000000xf32, #tpu.memory_space<hbm>>) dst(%dma_wait3A_369 : memref<128xf32, #tpu.memory_space<vmem>>)
      %dma_wait3A_378 = arith.constant 3 : i32
      %dma_wait3A_379 = arith.constant 384 : i32
      %dma_wait3A_380 = tpu.memref_slice %arg11[%scan3A_208, %dma_wait3A_379] : memref<64x512xf32, #tpu.memory_space<vmem>> -> memref<1x128xf32, #tpu.memory_space<vmem>>
      %dma_wait3A_381 = tpu.memref_squeeze %dma_wait3A_380 : memref<1x128xf32, #tpu.memory_space<vmem>> -> memref<128xf32, #tpu.memory_space<vmem>>
      %dma_wait3A_382 = arith.constant 0 : i32
      %dma_wait3A_383 = tpu.memref_slice %arg9[%dma_wait3A_378, %dma_wait3A_382] : memref<4x128xi32, #tpu.memory_space<vmem>> -> memref<1x128xi32, #tpu.memory_space<vmem>>
      %dma_wait3A_384 = tpu.memref_squeeze %dma_wait3A_383 : memref<1x128xi32, #tpu.memory_space<vmem>> -> memref<128xi32, #tpu.memory_space<vmem>>
      %dma_wait3A_385 = arith.constant 0 : i32
      %dma_wait3A_386 = tpu.memref_slice %arg4[%scan3A_208, %dma_wait3A_385] : memref<64x1000000xf32, #tpu.memory_space<hbm>> -> memref<1x1000000xf32, #tpu.memory_space<hbm>>
      %dma_wait3A_387 = tpu.memref_squeeze %dma_wait3A_386 : memref<1x1000000xf32, #tpu.memory_space<hbm>> -> memref<1000000xf32, #tpu.memory_space<hbm>>
      %dma_wait3A_388 = arith.constant 0 : i32
      %dma_wait3A_389 = tpu.memref_slice %dma_wait3A_387[%dma_wait3A_388] : memref<1000000xf32, #tpu.memory_space<hbm>> -> memref<1000000xf32, #tpu.memory_space<hbm>>
      tpu.wait_indirect_dma semaphore(%arg17 : memref<!tpu.dma_semaphore, #tpu.memory_space<semaphore_mem>>) src(%dma_wait3A_389 : memref<1000000xf32, #tpu.memory_space<hbm>>) dst(%dma_wait3A_381 : memref<128xf32, #tpu.memory_space<vmem>>)
      %dma_wait3A_390 = arith.constant 3 : i32
      %dma_wait3A_391 = arith.constant 384 : i32
      %dma_wait3A_392 = tpu.memref_slice %arg12[%scan3A_208, %dma_wait3A_391] : memref<64x512xf32, #tpu.memory_space<vmem>> -> memref<1x128xf32, #tpu.memory_space<vmem>>
      %dma_wait3A_393 = tpu.memref_squeeze %dma_wait3A_392 : memref<1x128xf32, #tpu.memory_space<vmem>> -> memref<128xf32, #tpu.memory_space<vmem>>
      %dma_wait3A_394 = arith.constant 0 : i32
      %dma_wait3A_395 = tpu.memref_slice %arg10[%dma_wait3A_390, %dma_wait3A_394] : memref<4x128xi32, #tpu.memory_space<vmem>> -> memref<1x128xi32, #tpu.memory_space<vmem>>
      %dma_wait3A_396 = tpu.memref_squeeze %dma_wait3A_395 : memref<1x128xi32, #tpu.memory_space<vmem>> -> memref<128xi32, #tpu.memory_space<vmem>>
      %dma_wait3A_397 = arith.constant 0 : i32
      %dma_wait3A_398 = tpu.memref_slice %arg6[%scan3A_208, %dma_wait3A_397] : memref<64x1000000xf32, #tpu.memory_space<hbm>> -> memref<1x1000000xf32, #tpu.memory_space<hbm>>
      %dma_wait3A_399 = tpu.memref_squeeze %dma_wait3A_398 : memref<1x1000000xf32, #tpu.memory_space<hbm>> -> memref<1000000xf32, #tpu.memory_space<hbm>>
      %dma_wait3A_400 = arith.constant 0 : i32
      %dma_wait3A_401 = tpu.memref_slice %dma_wait3A_399[%dma_wait3A_400] : memref<1000000xf32, #tpu.memory_space<hbm>> -> memref<1000000xf32, #tpu.memory_space<hbm>>
      tpu.wait_indirect_dma semaphore(%arg17 : memref<!tpu.dma_semaphore, #tpu.memory_space<semaphore_mem>>) src(%dma_wait3A_401 : memref<1000000xf32, #tpu.memory_space<hbm>>) dst(%dma_wait3A_393 : memref<128xf32, #tpu.memory_space<vmem>>)
      %scan3A_402 = arith.constant 0 : i32
      scf.yield %scan3A_402 : i32
    }
    %scan3A_103 = arith.constant 64 : i32
    %dma_wait3A = arith.constant 0 : i32
    %dma_wait3A_104 = arith.constant 0 : i32
    %dma_wait3A_105 = arith.constant 0 : i32
    %dma_wait3A_106 = tpu.memref_slice %arg13[%dma_wait3A_105] : memref<512xf32, #tpu.memory_space<vmem>> -> memref<128xf32, #tpu.memory_space<vmem>>
    %dma_wait3A_107 = arith.constant 0 : i32
    %dma_wait3A_108 = tpu.memref_slice %arg9[%dma_wait3A_104, %dma_wait3A_107] : memref<4x128xi32, #tpu.memory_space<vmem>> -> memref<1x128xi32, #tpu.memory_space<vmem>>
    %dma_wait3A_109 = tpu.memref_squeeze %dma_wait3A_108 : memref<1x128xi32, #tpu.memory_space<vmem>> -> memref<128xi32, #tpu.memory_space<vmem>>
    %dma_wait3A_110 = arith.constant 0 : i32
    %dma_wait3A_111 = tpu.memref_slice %arg5[%dma_wait3A, %dma_wait3A_110] : memref<1x1000000xf32, #tpu.memory_space<hbm>> -> memref<1x1000000xf32, #tpu.memory_space<hbm>>
    %dma_wait3A_112 = tpu.memref_squeeze %dma_wait3A_111 : memref<1x1000000xf32, #tpu.memory_space<hbm>> -> memref<1000000xf32, #tpu.memory_space<hbm>>
    %dma_wait3A_113 = arith.constant 0 : i32
    %dma_wait3A_114 = tpu.memref_slice %dma_wait3A_112[%dma_wait3A_113] : memref<1000000xf32, #tpu.memory_space<hbm>> -> memref<1000000xf32, #tpu.memory_space<hbm>>
    tpu.wait_indirect_dma semaphore(%arg16 : memref<!tpu.dma_semaphore, #tpu.memory_space<semaphore_mem>>) src(%dma_wait3A_114 : memref<1000000xf32, #tpu.memory_space<hbm>>) dst(%dma_wait3A_106 : memref<128xf32, #tpu.memory_space<vmem>>)
    %dma_wait3A_115 = arith.constant 0 : i32
    %dma_wait3A_116 = arith.constant 0 : i32
    %dma_wait3A_117 = arith.constant 0 : i32
    %dma_wait3A_118 = tpu.memref_slice %arg14[%dma_wait3A_117] : memref<512xf32, #tpu.memory_space<vmem>> -> memref<128xf32, #tpu.memory_space<vmem>>
    %dma_wait3A_119 = arith.constant 0 : i32
    %dma_wait3A_120 = tpu.memref_slice %arg10[%dma_wait3A_116, %dma_wait3A_119] : memref<4x128xi32, #tpu.memory_space<vmem>> -> memref<1x128xi32, #tpu.memory_space<vmem>>
    %dma_wait3A_121 = tpu.memref_squeeze %dma_wait3A_120 : memref<1x128xi32, #tpu.memory_space<vmem>> -> memref<128xi32, #tpu.memory_space<vmem>>
    %dma_wait3A_122 = arith.constant 0 : i32
    %dma_wait3A_123 = tpu.memref_slice %arg7[%dma_wait3A_115, %dma_wait3A_122] : memref<1x1000000xf32, #tpu.memory_space<hbm>> -> memref<1x1000000xf32, #tpu.memory_space<hbm>>
    %dma_wait3A_124 = tpu.memref_squeeze %dma_wait3A_123 : memref<1x1000000xf32, #tpu.memory_space<hbm>> -> memref<1000000xf32, #tpu.memory_space<hbm>>
    %dma_wait3A_125 = arith.constant 0 : i32
    %dma_wait3A_126 = tpu.memref_slice %dma_wait3A_124[%dma_wait3A_125] : memref<1000000xf32, #tpu.memory_space<hbm>> -> memref<1000000xf32, #tpu.memory_space<hbm>>
    tpu.wait_indirect_dma semaphore(%arg16 : memref<!tpu.dma_semaphore, #tpu.memory_space<semaphore_mem>>) src(%dma_wait3A_126 : memref<1000000xf32, #tpu.memory_space<hbm>>) dst(%dma_wait3A_118 : memref<128xf32, #tpu.memory_space<vmem>>)
    %dma_wait3A_127 = arith.constant 0 : i32
    %dma_wait3A_128 = arith.constant 1 : i32
    %dma_wait3A_129 = arith.constant 128 : i32
    %dma_wait3A_130 = tpu.memref_slice %arg13[%dma_wait3A_129] : memref<512xf32, #tpu.memory_space<vmem>> -> memref<128xf32, #tpu.memory_space<vmem>>
    %dma_wait3A_131 = arith.constant 0 : i32
    %dma_wait3A_132 = tpu.memref_slice %arg9[%dma_wait3A_128, %dma_wait3A_131] : memref<4x128xi32, #tpu.memory_space<vmem>> -> memref<1x128xi32, #tpu.memory_space<vmem>>
    %dma_wait3A_133 = tpu.memref_squeeze %dma_wait3A_132 : memref<1x128xi32, #tpu.memory_space<vmem>> -> memref<128xi32, #tpu.memory_space<vmem>>
    %dma_wait3A_134 = arith.constant 0 : i32
    %dma_wait3A_135 = tpu.memref_slice %arg5[%dma_wait3A_127, %dma_wait3A_134] : memref<1x1000000xf32, #tpu.memory_space<hbm>> -> memref<1x1000000xf32, #tpu.memory_space<hbm>>
    %dma_wait3A_136 = tpu.memref_squeeze %dma_wait3A_135 : memref<1x1000000xf32, #tpu.memory_space<hbm>> -> memref<1000000xf32, #tpu.memory_space<hbm>>
    %dma_wait3A_137 = arith.constant 0 : i32
    %dma_wait3A_138 = tpu.memref_slice %dma_wait3A_136[%dma_wait3A_137] : memref<1000000xf32, #tpu.memory_space<hbm>> -> memref<1000000xf32, #tpu.memory_space<hbm>>
    tpu.wait_indirect_dma semaphore(%arg16 : memref<!tpu.dma_semaphore, #tpu.memory_space<semaphore_mem>>) src(%dma_wait3A_138 : memref<1000000xf32, #tpu.memory_space<hbm>>) dst(%dma_wait3A_130 : memref<128xf32, #tpu.memory_space<vmem>>)
    %dma_wait3A_139 = arith.constant 0 : i32
    %dma_wait3A_140 = arith.constant 1 : i32
    %dma_wait3A_141 = arith.constant 128 : i32
    %dma_wait3A_142 = tpu.memref_slice %arg14[%dma_wait3A_141] : memref<512xf32, #tpu.memory_space<vmem>> -> memref<128xf32, #tpu.memory_space<vmem>>
    %dma_wait3A_143 = arith.constant 0 : i32
    %dma_wait3A_144 = tpu.memref_slice %arg10[%dma_wait3A_140, %dma_wait3A_143] : memref<4x128xi32, #tpu.memory_space<vmem>> -> memref<1x128xi32, #tpu.memory_space<vmem>>
    %dma_wait3A_145 = tpu.memref_squeeze %dma_wait3A_144 : memref<1x128xi32, #tpu.memory_space<vmem>> -> memref<128xi32, #tpu.memory_space<vmem>>
    %dma_wait3A_146 = arith.constant 0 : i32
    %dma_wait3A_147 = tpu.memref_slice %arg7[%dma_wait3A_139, %dma_wait3A_146] : memref<1x1000000xf32, #tpu.memory_space<hbm>> -> memref<1x1000000xf32, #tpu.memory_space<hbm>>
    %dma_wait3A_148 = tpu.memref_squeeze %dma_wait3A_147 : memref<1x1000000xf32, #tpu.memory_space<hbm>> -> memref<1000000xf32, #tpu.memory_space<hbm>>
    %dma_wait3A_149 = arith.constant 0 : i32
    %dma_wait3A_150 = tpu.memref_slice %dma_wait3A_148[%dma_wait3A_149] : memref<1000000xf32, #tpu.memory_space<hbm>> -> memref<1000000xf32, #tpu.memory_space<hbm>>
    tpu.wait_indirect_dma semaphore(%arg16 : memref<!tpu.dma_semaphore, #tpu.memory_space<semaphore_mem>>) src(%dma_wait3A_150 : memref<1000000xf32, #tpu.memory_space<hbm>>) dst(%dma_wait3A_142 : memref<128xf32, #tpu.memory_space<vmem>>)
    %dma_wait3A_151 = arith.constant 0 : i32
    %dma_wait3A_152 = arith.constant 2 : i32
    %dma_wait3A_153 = arith.constant 256 : i32
    %dma_wait3A_154 = tpu.memref_slice %arg13[%dma_wait3A_153] : memref<512xf32, #tpu.memory_space<vmem>> -> memref<128xf32, #tpu.memory_space<vmem>>
    %dma_wait3A_155 = arith.constant 0 : i32
    %dma_wait3A_156 = tpu.memref_slice %arg9[%dma_wait3A_152, %dma_wait3A_155] : memref<4x128xi32, #tpu.memory_space<vmem>> -> memref<1x128xi32, #tpu.memory_space<vmem>>
    %dma_wait3A_157 = tpu.memref_squeeze %dma_wait3A_156 : memref<1x128xi32, #tpu.memory_space<vmem>> -> memref<128xi32, #tpu.memory_space<vmem>>
    %dma_wait3A_158 = arith.constant 0 : i32
    %dma_wait3A_159 = tpu.memref_slice %arg5[%dma_wait3A_151, %dma_wait3A_158] : memref<1x1000000xf32, #tpu.memory_space<hbm>> -> memref<1x1000000xf32, #tpu.memory_space<hbm>>
    %dma_wait3A_160 = tpu.memref_squeeze %dma_wait3A_159 : memref<1x1000000xf32, #tpu.memory_space<hbm>> -> memref<1000000xf32, #tpu.memory_space<hbm>>
    %dma_wait3A_161 = arith.constant 0 : i32
    %dma_wait3A_162 = tpu.memref_slice %dma_wait3A_160[%dma_wait3A_161] : memref<1000000xf32, #tpu.memory_space<hbm>> -> memref<1000000xf32, #tpu.memory_space<hbm>>
    tpu.wait_indirect_dma semaphore(%arg16 : memref<!tpu.dma_semaphore, #tpu.memory_space<semaphore_mem>>) src(%dma_wait3A_162 : memref<1000000xf32, #tpu.memory_space<hbm>>) dst(%dma_wait3A_154 : memref<128xf32, #tpu.memory_space<vmem>>)
    %dma_wait3A_163 = arith.constant 0 : i32
    %dma_wait3A_164 = arith.constant 2 : i32
    %dma_wait3A_165 = arith.constant 256 : i32
    %dma_wait3A_166 = tpu.memref_slice %arg14[%dma_wait3A_165] : memref<512xf32, #tpu.memory_space<vmem>> -> memref<128xf32, #tpu.memory_space<vmem>>
    %dma_wait3A_167 = arith.constant 0 : i32
    %dma_wait3A_168 = tpu.memref_slice %arg10[%dma_wait3A_164, %dma_wait3A_167] : memref<4x128xi32, #tpu.memory_space<vmem>> -> memref<1x128xi32, #tpu.memory_space<vmem>>
    %dma_wait3A_169 = tpu.memref_squeeze %dma_wait3A_168 : memref<1x128xi32, #tpu.memory_space<vmem>> -> memref<128xi32, #tpu.memory_space<vmem>>
    %dma_wait3A_170 = arith.constant 0 : i32
    %dma_wait3A_171 = tpu.memref_slice %arg7[%dma_wait3A_163, %dma_wait3A_170] : memref<1x1000000xf32, #tpu.memory_space<hbm>> -> memref<1x1000000xf32, #tpu.memory_space<hbm>>
    %dma_wait3A_172 = tpu.memref_squeeze %dma_wait3A_171 : memref<1x1000000xf32, #tpu.memory_space<hbm>> -> memref<1000000xf32, #tpu.memory_space<hbm>>
    %dma_wait3A_173 = arith.constant 0 : i32
    %dma_wait3A_174 = tpu.memref_slice %dma_wait3A_172[%dma_wait3A_173] : memref<1000000xf32, #tpu.memory_space<hbm>> -> memref<1000000xf32, #tpu.memory_space<hbm>>
    tpu.wait_indirect_dma semaphore(%arg16 : memref<!tpu.dma_semaphore, #tpu.memory_space<semaphore_mem>>) src(%dma_wait3A_174 : memref<1000000xf32, #tpu.memory_space<hbm>>) dst(%dma_wait3A_166 : memref<128xf32, #tpu.memory_space<vmem>>)
    %dma_wait3A_175 = arith.constant 0 : i32
    %dma_wait3A_176 = arith.constant 3 : i32
    %dma_wait3A_177 = arith.constant 384 : i32
    %dma_wait3A_178 = tpu.memref_slice %arg13[%dma_wait3A_177] : memref<512xf32, #tpu.memory_space<vmem>> -> memref<128xf32, #tpu.memory_space<vmem>>
    %dma_wait3A_179 = arith.constant 0 : i32
    %dma_wait3A_180 = tpu.memref_slice %arg9[%dma_wait3A_176, %dma_wait3A_179] : memref<4x128xi32, #tpu.memory_space<vmem>> -> memref<1x128xi32, #tpu.memory_space<vmem>>
    %dma_wait3A_181 = tpu.memref_squeeze %dma_wait3A_180 : memref<1x128xi32, #tpu.memory_space<vmem>> -> memref<128xi32, #tpu.memory_space<vmem>>
    %dma_wait3A_182 = arith.constant 0 : i32
    %dma_wait3A_183 = tpu.memref_slice %arg5[%dma_wait3A_175, %dma_wait3A_182] : memref<1x1000000xf32, #tpu.memory_space<hbm>> -> memref<1x1000000xf32, #tpu.memory_space<hbm>>
    %dma_wait3A_184 = tpu.memref_squeeze %dma_wait3A_183 : memref<1x1000000xf32, #tpu.memory_space<hbm>> -> memref<1000000xf32, #tpu.memory_space<hbm>>
    %dma_wait3A_185 = arith.constant 0 : i32
    %dma_wait3A_186 = tpu.memref_slice %dma_wait3A_184[%dma_wait3A_185] : memref<1000000xf32, #tpu.memory_space<hbm>> -> memref<1000000xf32, #tpu.memory_space<hbm>>
    tpu.wait_indirect_dma semaphore(%arg16 : memref<!tpu.dma_semaphore, #tpu.memory_space<semaphore_mem>>) src(%dma_wait3A_186 : memref<1000000xf32, #tpu.memory_space<hbm>>) dst(%dma_wait3A_178 : memref<128xf32, #tpu.memory_space<vmem>>)
    %dma_wait3A_187 = arith.constant 0 : i32
    %dma_wait3A_188 = arith.constant 3 : i32
    %dma_wait3A_189 = arith.constant 384 : i32
    %dma_wait3A_190 = tpu.memref_slice %arg14[%dma_wait3A_189] : memref<512xf32, #tpu.memory_space<vmem>> -> memref<128xf32, #tpu.memory_space<vmem>>
    %dma_wait3A_191 = arith.constant 0 : i32
    %dma_wait3A_192 = tpu.memref_slice %arg10[%dma_wait3A_188, %dma_wait3A_191] : memref<4x128xi32, #tpu.memory_space<vmem>> -> memref<1x128xi32, #tpu.memory_space<vmem>>
    %dma_wait3A_193 = tpu.memref_squeeze %dma_wait3A_192 : memref<1x128xi32, #tpu.memory_space<vmem>> -> memref<128xi32, #tpu.memory_space<vmem>>
    %dma_wait3A_194 = arith.constant 0 : i32
    %dma_wait3A_195 = tpu.memref_slice %arg7[%dma_wait3A_187, %dma_wait3A_194] : memref<1x1000000xf32, #tpu.memory_space<hbm>> -> memref<1x1000000xf32, #tpu.memory_space<hbm>>
    %dma_wait3A_196 = tpu.memref_squeeze %dma_wait3A_195 : memref<1x1000000xf32, #tpu.memory_space<hbm>> -> memref<1000000xf32, #tpu.memory_space<hbm>>
    %dma_wait3A_197 = arith.constant 0 : i32
    %dma_wait3A_198 = tpu.memref_slice %dma_wait3A_196[%dma_wait3A_197] : memref<1000000xf32, #tpu.memory_space<hbm>> -> memref<1000000xf32, #tpu.memory_space<hbm>>
    tpu.wait_indirect_dma semaphore(%arg16 : memref<!tpu.dma_semaphore, #tpu.memory_space<semaphore_mem>>) src(%dma_wait3A_198 : memref<1000000xf32, #tpu.memory_space<hbm>>) dst(%dma_wait3A_190 : memref<128xf32, #tpu.memory_space<vmem>>)
    %scan3A_199 = arith.constant 0 : i32
    %scan3A_200 = arith.constant 0 : i32
    %scan3A_201 = arith.constant 32 : i32
    %scan3A_202 = arith.addi %scan3A_200, %scan3A_201 : i32
    %scan3A_203 = arith.constant 1 : i32
    %scan3A_204 = scf.for %scan3A_208 = %scan3A_200 to %scan3A_202 step %scan3A_203 iter_args(%scan3A_209 = %scan3A_199) -> (i32)  : i32 {
      %mul3A_210 = arith.constant 16 : i32
      %mul3A_211 = arith.muli %scan3A_208, %mul3A_210 : i32
      %broadcast_in_dim3A = arith.constant 0.000000e+00 : f32
      %broadcast_in_dim3A_212 = vector.broadcast %broadcast_in_dim3A : f32 to vector<16xf32>
      %scan3A_213 = arith.constant 0 : i32
      %scan3A_214 = arith.constant 64 : i32
      %scan3A_215 = arith.addi %scan3A_213, %scan3A_214 : i32
      %scan3A_216 = arith.constant 1 : i32
      %scan3A_217 = scf.for %scan3A_226 = %scan3A_213 to %scan3A_215 step %scan3A_216 iter_args(%scan3A_227 = %broadcast_in_dim3A_212) -> (vector<16xf32>)  : i32 {
        %get3A_228 = arith.index_cast %scan3A_226 : i32 to index
        %get3A_229 = arith.index_cast %mul3A_211 : i32 to index
        %get3A_230 = tpu.vector_load %arg11[%get3A_228, %get3A_229] {strides = array<i32>} : memref<64x512xf32, #tpu.memory_space<vmem>>, vector<16xf32>,
        %get3A_231 = arith.index_cast %scan3A_226 : i32 to index
        %get3A_232 = arith.index_cast %mul3A_211 : i32 to index
        %get3A_233 = tpu.vector_load %arg12[%get3A_231, %get3A_232] {strides = array<i32>} : memref<64x512xf32, #tpu.memory_space<vmem>>, vector<16xf32>,
        %mul3A_234 = arith.mulf %get3A_230, %get3A_233 : vector<16xf32>
        %add3A_235 = arith.addf %scan3A_227, %mul3A_234 : vector<16xf32>
        scf.yield %add3A_235 : vector<16xf32>
      }
      %scan3A_218 = arith.constant 64 : i32
      %get3A = arith.index_cast %mul3A_211 : i32 to index
      %get3A_219 = tpu.vector_load %arg13[%get3A] {strides = array<i32>} : memref<512xf32, #tpu.memory_space<vmem>>, vector<16xf32>,
      %add3A_220 = arith.addf %scan3A_217, %get3A_219 : vector<16xf32>
      %get3A_221 = arith.index_cast %mul3A_211 : i32 to index
      %get3A_222 = tpu.vector_load %arg14[%get3A_221] {strides = array<i32>} : memref<512xf32, #tpu.memory_space<vmem>>, vector<16xf32>,
      %add3A_223 = arith.addf %add3A_220, %get3A_222 : vector<16xf32>
      %swap3A = arith.index_cast %mul3A_211 : i32 to index
      %swap3A_224 = tpu.vector_load %arg15[%swap3A] {strides = array<i32>} : memref<512xf32, #tpu.memory_space<vmem>>, vector<16xf32>,
      tpu.vector_store %arg15[%swap3A], %add3A_223 {strides = array<i32>} : memref<512xf32, #tpu.memory_space<vmem>>, vector<16xf32>,
      %scan3A_225 = arith.constant 0 : i32
      scf.yield %scan3A_225 : i32
    }
    %scan3A_205 = arith.constant 32 : i32
    %mul3A_206 = arith.constant 512 : i32
    %mul3A_207 = arith.muli %add3A, %mul3A_206 : i32
    "tpu.region"() ({
      %run_scoped3A = tpu.sem_alloc : memref<!tpu.dma_semaphore, #tpu.memory_space<semaphore_mem>>
      %dma_start3A_208 = tpu.memref_slice %arg8[%mul3A_207] : memref<16384xf32, #tpu.memory_space<hbm>> -> memref<512xf32, #tpu.memory_space<hbm>>
      %dma_start3A_209 = tpu.memref_slice %arg8[%mul3A_207] : memref<16384xf32, #tpu.memory_space<hbm>> -> memref<512xf32, #tpu.memory_space<hbm>>
      tpu.enqueue_dma source(%arg15 : memref<512xf32, #tpu.memory_space<vmem>>) target(%dma_start3A_209 : memref<512xf32, #tpu.memory_space<hbm>>) target_semaphore(%run_scoped3A : memref<!tpu.dma_semaphore, #tpu.memory_space<semaphore_mem>>)
      %dma_wait3A_210 = tpu.memref_slice %arg8[%mul3A_207] : memref<16384xf32, #tpu.memory_space<hbm>> -> memref<512xf32, #tpu.memory_space<hbm>>
      %dma_wait3A_211 = tpu.memref_slice %arg8[%mul3A_207] : memref<16384xf32, #tpu.memory_space<hbm>> -> memref<512xf32, #tpu.memory_space<hbm>>
      tpu.wait_dma2 semaphore(%run_scoped3A : memref<!tpu.dma_semaphore, #tpu.memory_space<semaphore_mem>>) src(%arg15 : memref<512xf32, #tpu.memory_space<vmem>>) dst(%dma_wait3A_211 : memref<512xf32, #tpu.memory_space<hbm>>)
      tpu.yield
    }) : () -> ()
    return
  }
}

</mosaic_0001>

<sc_bundles>
// kernel: kernel.3.cloned.1.call-start
scs
__scs_entry_jumppad:
0x0: {  	(pc) =	sbr.rel $0x88, $3  }
0x1: {  	(tag) =	ssettag $0x0;
	lr =	simm.s32 $0x1  }
0x2: {  	[smem:$0x3F9B] =	sst lr;
	_ =	strace $0xD0000000  }
0x3: {  	_ = 	snop  }
0x4: {  	_ = 	snop  }
0x5: {  	_ = 	snop  }
0x6: {  	_ = 	snop  }
0x7: {  	_ = 	snop  }
__scs_overlays_trampoline_lowered:
0x8: {  	[smem:$0x3FAA] =	sst s0  }
0x9: {  	[smem:$0x3FAB] =	sst s1  }
0xa: {  	[smem:$0x3FAC] =	sst s2  }
0xb: {  	[smem:$0x3FAD] =	sst s3  }
0xc: {  	[smem:$0x3FAE] =	sst s4  }
0xd: {  	[smem:$0x3FAF] =	sst s5  }
0xe: {  	[smem:$0x3FB0] =	sst s6  }
0xf: {  	[smem:$0x3FB1] =	sst s7  }
0x10: {  	[smem:$0x3FB2] =	sst s8  }
0x11: {  	[smem:$0x3FB3] =	sst s9;
	s0 =	simm.s32 @!p0 $0x0  }
0x12: {  	s1 =	sld [smem:$0x3F99];
	s0 =	simm.s32 @p0 $0x1  }
0x13: {  	[smem:$0x3FB4] =	sst s0;
	s0 =	simm.s32 @!p1 $0x0  }
0x14: {  	s2 =	sld [smem:$0x3F98];
	s0 =	simm.s32 @p1 $0x1  }
0x15: {  	[smem:$0x3FB5] =	sst s0;
	s0 =	simm.s32 @!p2 $0x0  }
0x16: {  	s3 =	sld [smem:$0x3FDB];
	s0 =	simm.s32 @p2 $0x1  }
0x17: {  	s4 =	simm.s32 $0x1BF5;
	[smem:$0x3FB7] =	sst s0  }
0x18: {  	s0 =	sld [smem:$0x3F9A];
	_ =	swait.ge [sflag:s4], $0x0  }
0x19: {  	s7 =	sld [smem:$0x3F9B]  }
0x1a: {  	s8 =	sadd.s32 $0xFFFFE003, lr  }
0x1b: {  	s9 =	sadd.s32 $0xFFFFFEF7, lr;
	s5 =	simm.s32 $0xFFFFFFFF;
	p2 =	slt.u32 s8, $0xFFFFF086  }
0x1c: {  	p1 =	slt.u32 s9, $0xF7A;
	s5 =	simm.s32 @!p2 $0x0  }
0x1d: {  	s5 =	simm.s32 @p1 $0x1;
	p0 =	seq.s32 s7, s2  }
0x1e: {  	s7 =	smul.u32 @!p0 $0xF7A, s2;
	p2 =	seq.s32 @!p0 s5, $0x0  }
0x1f: {  	s9 =	smul.u32 $0xF7A, s1;
	s8 =	simm.s32 @!p0 $0x1BF5;
	p2 =	por !p2, p0  }
0x20: {  	[sflag:s8] =	ssyncset.s32 @!p0 $0xFFFFF086;
	s6 =	sadd.s32 @!p0 s3, s7;
	s7 =	simm.s32 @!p0 $0x108  }
0x21: {  	s3 =	sadd.s32 s3, s9;
	s6 =	sadd.s32 @!p0 $0x88, s6;
	s7 =	simm.s32 @p2 $0x1082  }
0x22: {  	[simem:s7], [sflag:s8] =	dma.local @!p0 [hbm:s6], $0xF7A  }
0x23: {  	s9 =	sor.u32 $0xD0000000, s2;
	s6 =	simm.s32 $0x108;
	_ =	swait.ge @!p0 [sflag:s8], $0x0  }
0x24: {  	s3 =	sadd.s32 $0x88, s3;
	s6 =	simm.s32 @!p1 $0x1082;
	[sflag:s4] =	ssyncset.s32 $0xFFFFF086  }
0x25: {  	[simem:s6], [sflag:s4] =	dma.local [hbm:s3], $0xF7A  }
0x26: {  	[smem:$0x3F9B] =	sst s1;
	(tag) =	ssettag s2;
	_ =	strace s9  }
0x27: {  	s1 =	sld [smem:$0x3FAB]  }
0x28: {  	s2 =	sld [smem:$0x3FAC]  }
0x29: {  	s4 =	sld [smem:$0x3FAE]  }
0x2a: {  	p0 =	seq.s32 s5, $0x0;
	s5 =	sld [smem:$0x3FAF]  }
0x2b: {  	s6 =	sld [smem:$0x3FB0]  }
0x2c: {  	s7 =	sld [smem:$0x3FB1]  }
0x2d: {  	s3 =	simm.s32 $0x108;
	s8 =	sld [smem:$0x3FB2]  }
0x2e: {  	s3 =	simm.s32 @!p0 $0x1082;
	s9 =	sld [smem:$0x3FB3]  }
0x2f: {  	lr =	sadd.s32 s0, s3;
	s0 =	sld [smem:$0x3FAA]  }
0x30: {  	s3 =	sld [smem:$0x3FAD]  }
0x31: {  	[smem:$0x3FB6] =	sst s10  }
0x32: {  	s10 =	sld [smem:$0x3FB4];
	_ =	sdelay $0x3  }
0x33: {  	p0 =	seq.s32 s10, $0x1;
	s10 =	sld [smem:$0x3FB6];
	_ =	sdelay $0x3  }
0x34: {  	[smem:$0x3FB6] =	sst s10  }
0x35: {  	s10 =	sld [smem:$0x3FB5];
	_ =	sdelay $0x3  }
0x36: {  	p1 =	seq.s32 s10, $0x1;
	s10 =	sld [smem:$0x3FB6];
	_ =	sdelay $0x3  }
0x37: {  	[smem:$0x3FB6] =	sst s10  }
0x38: {  	s10 =	sld [smem:$0x3FB7]  }
0x39: {  	_ = 	snop;
	(pc) =	sbr.ind lr, $3  }
0x3a: {  	_ = 	snop  }
0x3b: {  	_ = 	snop  }
0x3c: {  	p2 =	seq.s32 s10, $0x1;
	s10 =	sld [smem:$0x3FB6]  }
0x3d: {  	_ =	shalt  }
0x3e: {  	_ =	shalt  }
0x3f: {  	_ =	shalt  }
0x40: {  	_ =	shalt  }
0x41: {  	_ =	shalt  }
0x42: {  	_ =	shalt  }
0x43: {  	_ =	shalt  }
0x44: {  	_ =	shalt  }
0x45: {  	_ =	shalt  }
0x46: {  	_ =	shalt  }
0x47: {  	_ =	shalt  }
0x48: {  	_ =	shalt  }
0x49: {  	_ =	shalt  }
0x4a: {  	_ =	shalt  }
0x4b: {  	_ =	shalt  }
0x4c: {  	_ =	shalt  }
0x4d: {  	_ =	shalt  }
0x4e: {  	_ =	shalt  }
0x4f: {  	_ =	shalt  }
0x50: {  	_ =	shalt  }
0x51: {  	_ =	shalt  }
0x52: {  	_ =	shalt  }
0x53: {  	_ =	shalt  }
0x54: {  	_ =	shalt  }
0x55: {  	_ =	shalt  }
0x56: {  	_ =	shalt  }
0x57: {  	_ =	shalt  }
0x58: {  	_ =	shalt  }
0x59: {  	_ =	shalt  }
0x5a: {  	_ =	shalt  }
0x5b: {  	_ =	shalt  }
0x5c: {  	_ =	shalt  }
0x5d: {  	_ =	shalt  }
0x5e: {  	_ =	shalt  }
0x5f: {  	_ =	shalt  }
0x60: {  	_ =	shalt  }
0x61: {  	_ =	shalt  }
0x62: {  	_ =	shalt  }
0x63: {  	_ =	shalt  }
0x64: {  	_ =	shalt  }
0x65: {  	_ =	shalt  }
0x66: {  	_ =	shalt  }
0x67: {  	_ =	shalt  }
0x68: {  	_ =	shalt  }
0x69: {  	_ =	shalt  }
0x6a: {  	_ =	shalt  }
0x6b: {  	_ =	shalt  }
0x6c: {  	_ =	shalt  }
0x6d: {  	_ =	shalt  }
0x6e: {  	_ =	shalt  }
0x6f: {  	_ =	shalt  }
0x70: {  	_ =	shalt  }
0x71: {  	_ =	shalt  }
0x72: {  	_ =	shalt  }
0x73: {  	_ =	shalt  }
0x74: {  	_ =	shalt  }
0x75: {  	_ =	shalt  }
0x76: {  	_ =	shalt  }
0x77: {  	_ =	shalt  }
0x78: {  	_ =	shalt  }
0x79: {  	_ =	shalt  }
0x7a: {  	_ =	shalt  }
0x7b: {  	_ =	shalt  }
0x7c: {  	_ =	shalt  }
0x7d: {  	_ =	shalt  }
0x7e: {  	_ =	shalt  }
0x7f: {  	_ =	shalt  }
0x80: {  	_ =	shalt  }
0x81: {  	_ =	shalt  }
0x82: {  	_ =	shalt  }
0x83: {  	_ =	shalt  }
0x84: {  	_ =	shalt  }
0x85: {  	_ =	shalt  }
0x86: {  	_ =	shalt  }
0x87: {  	_ =	shalt  }
.Lfunc_end0:
.L_simem_size_0:
called_computation_lowered:
.L_overlay_start_0:
0x88: {  	s2 =	sld [smem:$0x3FD9]  }
0x89: {  	s3 =	sld [smem:$0x3FFE];
	_ =	sdelay $0x1  }
0x8a: {  	s1 =	srdreg.scid  }
0x8b: {  	s0 =	sand.u32 $0x1, s1  }
0x8c: {  	s17 =	sshll.u32 s0, $0xA;
	s2 =	sadd.s32 s3, s2  }
0x8d: {  	s2 =	sadd.s32 s2, s17  }
0x8e: {  	[smem:$0x3FC2] =	sst s2  }
0x8f: {  	_ = 	snop  }
0x90: {  	s2 =	sld [smem:$0x3FC9]  }
0x91: {  	s18 =	sld [smem:$0x3FC8]  }
0x92: {  	s4 =	sld [smem:$0x3FD0];
	(tm) =	ssettm $0x1  }
0x93: {  	s5 =	sld [smem:$0x3FFB];
	_ =	sdelay $0x3  }
0x94: {  	_ =	strace s5  }
0x95: {  	s5 =	sld [smem:$0x3FFC];
	_ =	sdelay $0x3  }
0x96: {  	_ =	strace s5  }
0x97: {  	s5 =	sld [smem:$0x3FFD];
	_ =	sdelay $0x3  }
0x98: {  	_ =	strace s5  }
0x99: {  	_ =	strace $0x8FFFFFFF  }
0x9a: {  	s19 =	sld [smem:$0x3FDB];
	_ =	sdelay $0x1  }
0x9b: {  	s6 =	simm.s32 $_scs_section_size  }
0x9c: {  	s7 =	simm.s32 $_size__tile_overlayer_lowered;
	s8 =	simm.s32 $_tile_overlayer_lowered  }
0x9d: {  	s22 =	simm.s32 $0x1BFF;
	s21 =	sshll.u32 s8, $0x1;
	s5 =	sadd.s32 s6, s19  }
0x9e: {  	s9 =	simm.s32 $0x0;
	s20 =	sshll.u32 s7, $0x1;
	s7 =	sadd.s32 s21, s5  }
0x9f: {  	[timem:s9], [sflag:s22] =	dma.local [hbm:s7], s20  }
0xa0: {  	_ =	swait.ge [sflag:s22], s20  }
0xa1: {  	s6 =	ssub.s32 $0x0, s20;
	[sflag:s22] =	ssyncset.done $0x0  }
0xa2: {  	[sflag:s22] =	ssyncadd.s32 s6;
	_ =	sdelay $0x1  }
0xa3: {  	s23 =	simm.s32 $0x1B8B  }
0xa4: {  	_ =	swait.ge [sflag:s23], $0x1  }
0xa5: {  	[sflag:s23] =	ssyncset.done $0x0  }
0xa6: {  	s25 =	simm.s32 $0x1B8E;
	s24 =	sld [smem:$0x3FFE];
	[sflag:s23] =	ssyncadd.s32 $0xFFFFFFFF  }
0xa7: {  	s26 =	simm.s32 $execute0_lowered;
	[smem:$0x3FD2] =	sst s25  }
0xa8: {  	s7 =	sshll.u32 s26, $0x1;
	_ =	strace $0x80000046;
	[dreg:$0x1] =	wrdreg $0xFFFFFFFF  }
0xa9: {  	s28 =	simm.s32 $_size_execute0_lowered;
	s5 =	sadd.s32 s5, s7;
	[dreg:$0x0] =	wrdreg $0x0  }
0xaa: {  	s7 =	sshll.u32 s28, $0x1;
	[dreg:$0x2] =	wrdreg s5  }
0xab: {  	[dreg:$0x3] =	wrdreg s7  }
0xac: {  	[dreg:$0x4] =	wrdreg $0xC0  }
0xad: {  	_ =	task [dreg:s9], $0x5FFFF  }
0xae: {  	[dreg:$0x1] =	wrdreg $0xFFFFFFFF  }
0xaf: {  	[dreg:$0x0] =	wrdreg $0x60  }
0xb0: {  	[dreg:$0x2] =	wrdreg s2  }
0xb1: {  	[dreg:$0x3] =	wrdreg s18  }
0xb2: {  	[dreg:$0x4] =	wrdreg s24  }
0xb3: {  	[dreg:$0x5] =	wrdreg s4  }
0xb4: {  	[dreg:$0x6] =	wrdreg $0x9  }
0xb5: {  	_ =	task.clear_ibuf [dreg:s9], $0x7FFFF;
	_ =	strace $0x90000046  }
0xb6: {  	s29 =	simm.s32 $0x9;
	_ =	strace $0x80000048  }
0xb7: {  	_ =	swait.ge [sflag:s29], $0x1  }
0xb8: {  	[sflag:s29] =	ssyncadd.s32 $0xFFFFFFFF  }
0xb9: {  	_ =	strace $0x90000048  }
0xba: {  	_ =	sfence  }
0xbb: {  	s30 =	sld [smem:$0x0];
	_ =	sdelay $0x2  }
0xbc: {  	s31 =	sshll.u32 s1, $0xD;
	s1 =	sshrl.u32 s1, $0x2  }
0xbd: {  	s3 =	sand.u32 $0x4000, s31;
	s1 =	sadd.s32 s1, s30  }
0xbe: {  	s0 =	sor.u32 s3, s0;
	s1 =	sshll.u32 s1, $0x11  }
0xbf: {  	s0 =	sor.u32 s1, s0  }
0xc0: {  	s0 =	sadd.s32 $0x8F2B, s0  }
0xc1: {  	[sflag:s0] =	ssyncadd.remote.s32 $0x1  }
0xc2: {  	_ =	sfence.sel $0xFFFF  }
0xc3: {  	[dreg:$0x0] =	wrdreg $0xFFFFFFFF;
	(pc) =	sbr.abs _section_cstart, $3  }
0xc4: {  	[dreg:$0x1] =	wrdreg $0xFFFFFFFF  }
0xc5: {  	_ =	task.clear_ibuf [dreg:s9], $0x2FFFF;
	_ =	strace $0x9FFFFFFF  }
0xc6: {  	(tm) =	ssettm $0x7FFFFFFF  }
0xc7: {  	_ =	shalt  }
tec
execute0_lowered:
.L_overlay_start_1:
0x0: {  	(tag) =	ssettag $0x1  }
0x1: {  	s0 =	rddreg [dreg:$0x0]  }
0x2: {  	s3 =	rddreg [dreg:$0x1]  }
0x3: {  	s1 =	rddreg [dreg:$0x2]  }
0x4: {  	s9 =	rddreg [dreg:$0x3];
	s2 =	simm.s32 $0x0  }
0x5: {  	s5 =	srdreg.scid;
	s10 =	stileid.u32;
	s13 =	simm.s32 $0x80  }
0x6: {  	s17 =	simm.s32 $0x280;
	s19 =	simm.s32 $0x100;
	s21 =	simm.s32 $0x300  }
0x7: {  	s22 =	simm.s32 $0x10700;
	s23 =	simm.s32 $0x180;
	s24 =	simm.s32 $0x10580  }
0x8: {  	s25 =	simm.s32 $0x380;
	s26 =	simm.s32 $0x10780;
	s28 =	simm.s32 $0x2  }
0x9: {  	s29 =	simm.s32 $0x1;
	s30 =	simm.s32 $0x10800;
	s31 =	simm.s32 $0x0  }
0xa: {  	[smem:$0x7FF] =	sst s2;
	s4 =	sadd.s32 $0x7A1200, s1;
	s6 =	sand.u32 $0x1, s5  }
0xb: {  	s5 =	sadd.s32 $0xF60E00, s1;
	s10 =	sshll.u32 s10, $0x7;
	_ =	strace $0x80000047  }
0xc: {  	s7 =	ssub.s32 $0x2, s6;
	s11 =	sshll.u32 s6, $0x6;
	s6 =	sadd.s32 $0xF42400, s1  }
0xd: {  	s8 =	sshrl.u32 s7, $0x1;
	s10 =	sor.u32 s11, s10;
	s11 =	simm.s32 $0x3  }
0xe: {  	s12 =	ssub.s32 s7, s8;
	s7 =	sadd.s32 s0, s10;
	s8 =	sadd.s32 s3, s10  }
0xf: {  	s9 =	sadd.s32 s9, s10;
	s10 =	smax.u32 s12, $0x1;
	s12 =	simm.s32 $0x200  }
.LBB2_1:
0x10: {  	[tilespmem:s2], [sflag:$0x3] =	stream.linear.gather [hbm4b:s7+s2], $0x200, $0x38;
	[tilespmem:$0x10A00] =	vst v63  }
0x11: {  	_ =	swait.ge [sflag:s11], $0x200  }
0x12: {  	[sflag:s11] =	ssyncset.done $0x0  }
0x13: {  	[sflag:s11] =	ssyncadd.s32 $0xFFFFFE00  }
0x14: {  	[tilespmem:s12], [sflag:$0x3] =	stream.linear.gather [hbm4b:s8+s2], $0x200, $0x38;
	[tilespmem:$0x10A00] =	vst v63  }
0x15: {  	_ =	swait.ge [sflag:s11], $0x200  }
0x16: {  	[sflag:s11] =	ssyncset.done $0x0  }
0x17: {  	s0 =	simm.s32 $0x10400;
	[sflag:s11] =	ssyncadd.s32 $0xFFFFFE00  }
0x18: {  	[tilespmem:s0], [sflag:$0x1] =	stream.indirect.gather [hbm4b:s5+s13], $0x1, s2, s13, $0xb8;
	[tilespmem:$0x10A00] =	vst v63  }
0x19: {  	s3 =	simm.s32 $0x10600  }
0x1a: {  	[tilespmem:s3], [sflag:$0x1] =	stream.indirect.gather [hbm4b:s6+s13], $0x1, s12, s13, $0xb8;
	[tilespmem:$0x10A00] =	vst v63  }
0x1b: {  	s14 =	simm.s32 $0x10480  }
0x1c: {  	[tilespmem:s14], [sflag:$0x1] =	stream.indirect.gather [hbm4b:s5+s13], $0x1, s13, s13, $0xb8;
	[tilespmem:$0x10A00] =	vst v63  }
0x1d: {  	s15 =	simm.s32 $0x10680  }
0x1e: {  	[tilespmem:s15], [sflag:$0x1] =	stream.indirect.gather [hbm4b:s6+s13], $0x1, s17, s13, $0xb8;
	[tilespmem:$0x10A00] =	vst v63  }
0x1f: {  	s16 =	simm.s32 $0x10500  }
0x20: {  	[tilespmem:s16], [sflag:$0x1] =	stream.indirect.gather [hbm4b:s5+s13], $0x1, s19, s13, $0xb8;
	[tilespmem:$0x10A00] =	vst v63  }
0x21: {  	_ = 	snop  }
0x22: {  	[tilespmem:s22], [sflag:$0x1] =	stream.indirect.gather [hbm4b:s6+s13], $0x1, s21, s13, $0xb8;
	[tilespmem:$0x10A00] =	vst v63  }
0x23: {  	_ = 	snop  }
0x24: {  	[tilespmem:s24], [sflag:$0x1] =	stream.indirect.gather [hbm4b:s5+s13], $0x1, s23, s13, $0xb8;
	[tilespmem:$0x10A00] =	vst v63  }
0x25: {  	_ = 	snop  }
0x26: {  	[tilespmem:s26], [sflag:$0x1] =	stream.indirect.gather [hbm4b:s6+s13], $0x1, s25, s13, $0xb8;
	[tilespmem:$0x10A00] =	vst v63  }
0x27: {  	s18 =	simm.s32 $0x400  }
0x28: {  	[tilespmem:s18], [sflag:$0x2] =	stream.indirect.gather [hbm4b:s4+s13], $0x1, s2, s13, $0xb8;
	[tilespmem:$0x10A00] =	vst v63  }
0x29: {  	s20 =	simm.s32 $0x8400  }
0x2a: {  	[tilespmem:s20], [sflag:$0x2] =	stream.indirect.gather [hbm4b:s1+s13], $0x1, s12, s13, $0xb8;
	[tilespmem:$0x10A00] =	vst v63  }
0x2b: {  	s3 =	simm.s32 $0x480  }
0x2c: {  	[tilespmem:s3], [sflag:$0x2] =	stream.indirect.gather [hbm4b:s4+s13], $0x1, s13, s13, $0xb8;
	[tilespmem:$0x10A00] =	vst v63  }
0x2d: {  	s14 =	simm.s32 $0x8480  }
0x2e: {  	[tilespmem:s14], [sflag:$0x2] =	stream.indirect.gather [hbm4b:s1+s13], $0x1, s17, s13, $0xb8;
	[tilespmem:$0x10A00] =	vst v63  }
0x2f: {  	s15 =	simm.s32 $0x500  }
0x30: {  	[tilespmem:s15], [sflag:$0x2] =	stream.indirect.gather [hbm4b:s4+s13], $0x1, s19, s13, $0xb8;
	[tilespmem:$0x10A00] =	vst v63  }
0x31: {  	s16 =	simm.s32 $0x8500  }
0x32: {  	[tilespmem:s16], [sflag:$0x2] =	stream.indirect.gather [hbm4b:s1+s13], $0x1, s21, s13, $0xb8;
	[tilespmem:$0x10A00] =	vst v63  }
0x33: {  	s18 =	simm.s32 $0x580  }
0x34: {  	[tilespmem:s18], [sflag:$0x2] =	stream.indirect.gather [hbm4b:s4+s13], $0x1, s23, s13, $0xb8;
	[tilespmem:$0x10A00] =	vst v63  }
0x35: {  	s20 =	simm.s32 $0x8580  }
0x36: {  	[tilespmem:s20], [sflag:$0x2] =	stream.indirect.gather [hbm4b:s1+s13], $0x1, s25, s13, $0xb8;
	[tilespmem:$0x10A00] =	vst v63  }
0x37: {  	_ =	swait.ge [sflag:s28], $0x80  }
0x38: {  	[sflag:s28] =	ssyncset.done $0x0  }
0x39: {  	[sflag:s28] =	ssyncadd.s32 $0xFFFFFF80  }
0x3a: {  	_ =	swait.ge [sflag:s28], $0x80  }
0x3b: {  	[sflag:s28] =	ssyncset.done $0x0  }
0x3c: {  	[sflag:s28] =	ssyncadd.s32 $0xFFFFFF80  }
0x3d: {  	_ =	swait.ge [sflag:s28], $0x80  }
0x3e: {  	[sflag:s28] =	ssyncset.done $0x0  }
0x3f: {  	[sflag:s28] =	ssyncadd.s32 $0xFFFFFF80  }
0x40: {  	_ =	swait.ge [sflag:s28], $0x80  }
0x41: {  	[sflag:s28] =	ssyncset.done $0x0  }
0x42: {  	[sflag:s28] =	ssyncadd.s32 $0xFFFFFF80  }
0x43: {  	_ =	swait.ge [sflag:s28], $0x80  }
0x44: {  	[sflag:s28] =	ssyncset.done $0x0  }
0x45: {  	[sflag:s28] =	ssyncadd.s32 $0xFFFFFF80  }
0x46: {  	_ =	swait.ge [sflag:s28], $0x80  }
0x47: {  	[sflag:s28] =	ssyncset.done $0x0  }
0x48: {  	[sflag:s28] =	ssyncadd.s32 $0xFFFFFF80  }
0x49: {  	_ =	swait.ge [sflag:s28], $0x80  }
0x4a: {  	[sflag:s28] =	ssyncset.done $0x0  }
0x4b: {  	[sflag:s28] =	ssyncadd.s32 $0xFFFFFF80  }
0x4c: {  	s0 =	sadd.s32 $0x1E848, s1;
	s3 =	sadd.s32 $0x1E848, s4;
	_ =	swait.ge [sflag:s28], $0x80  }
0x4d: {  	s14 =	simm.s32 $0x1000;
	s16 =	simm.s32 $0x200;
	[sflag:s28] =	ssyncset.done $0x0  }
.LBB2_2:
0x4e: {  	s20 =	sadd.s32 $0x400, s16  }
0x4f: {  	[sflag:s28] =	ssyncadd.s32 $0xFFFFFF80;
	s15 =	smov.u32 s14;
	s18 =	sadd.s32 $0x800, s14  }
0x50: {  	[tilespmem:s20], [sflag:$0x2] =	stream.indirect.gather [hbm4b:s3+s13], $0x1, s2, s13, $0xb8;
	[tilespmem:$0x10A00] =	vst v63  }
0x51: {  	p0 =	sne.s32 s14, $0x1F800;
	s14 =	sadd.s32 $0x8400, s16  }
0x52: {  	[tilespmem:s14], [sflag:$0x2] =	stream.indirect.gather [hbm4b:s0+s13], $0x1, s12, s13, $0xb8;
	[tilespmem:$0x10A00] =	vst v63  }
0x53: {  	s14 =	sadd.s32 $0x480, s16  }
0x54: {  	[tilespmem:s14], [sflag:$0x2] =	stream.indirect.gather [hbm4b:s3+s13], $0x1, s13, s13, $0xb8;
	[tilespmem:$0x10A00] =	vst v63  }
0x55: {  	s14 =	sadd.s32 $0x8480, s16  }
0x56: {  	[tilespmem:s14], [sflag:$0x2] =	stream.indirect.gather [hbm4b:s0+s13], $0x1, s17, s13, $0xb8;
	[tilespmem:$0x10A00] =	vst v63  }
0x57: {  	s14 =	sadd.s32 $0x500, s16  }
0x58: {  	[tilespmem:s14], [sflag:$0x2] =	stream.indirect.gather [hbm4b:s3+s13], $0x1, s19, s13, $0xb8;
	[tilespmem:$0x10A00] =	vst v63  }
0x59: {  	s14 =	sadd.s32 $0x8500, s16  }
0x5a: {  	[tilespmem:s14], [sflag:$0x2] =	stream.indirect.gather [hbm4b:s0+s13], $0x1, s21, s13, $0xb8;
	[tilespmem:$0x10A00] =	vst v63  }
0x5b: {  	s14 =	sadd.s32 $0x580, s16  }
0x5c: {  	[tilespmem:s14], [sflag:$0x2] =	stream.indirect.gather [hbm4b:s3+s13], $0x1, s23, s13, $0xb8;
	[tilespmem:$0x10A00] =	vst v63  }
0x5d: {  	s14 =	sadd.s32 $0x8580, s16  }
0x5e: {  	[tilespmem:s14], [sflag:$0x2] =	stream.indirect.gather [hbm4b:s0+s13], $0x1, s25, s13, $0xb8;
	[tilespmem:$0x10A00] =	vst v63  }
0x5f: {  	_ =	swait.ge [sflag:s28], $0x80  }
0x60: {  	[sflag:s28] =	ssyncset.done $0x0  }
0x61: {  	[sflag:s28] =	ssyncadd.s32 $0xFFFFFF80  }
0x62: {  	_ =	swait.ge [sflag:s28], $0x80  }
0x63: {  	[sflag:s28] =	ssyncset.done $0x0  }
0x64: {  	[sflag:s28] =	ssyncadd.s32 $0xFFFFFF80  }
0x65: {  	_ =	swait.ge [sflag:s28], $0x80  }
0x66: {  	[sflag:s28] =	ssyncset.done $0x0  }
0x67: {  	[sflag:s28] =	ssyncadd.s32 $0xFFFFFF80  }
0x68: {  	_ =	swait.ge [sflag:s28], $0x80  }
0x69: {  	[sflag:s28] =	ssyncset.done $0x0  }
0x6a: {  	[sflag:s28] =	ssyncadd.s32 $0xFFFFFF80  }
0x6b: {  	_ =	swait.ge [sflag:s28], $0x80  }
0x6c: {  	[sflag:s28] =	ssyncset.done $0x0  }
0x6d: {  	[sflag:s28] =	ssyncadd.s32 $0xFFFFFF80  }
0x6e: {  	_ =	swait.ge [sflag:s28], $0x80  }
0x6f: {  	[sflag:s28] =	ssyncset.done $0x0  }
0x70: {  	[sflag:s28] =	ssyncadd.s32 $0xFFFFFF80  }
.Ltmp0:
0x71: {  	_ =	swait.ge [sflag:s28], $0x80;
	(pc) =	sbr.rel @p0 .LBB2_2-.Ltmp0, $4  }
0x72: {  	[sflag:s28] =	ssyncset.done $0x0  }
0x73: {  	[sflag:s28] =	ssyncadd.s32 $0xFFFFFF80  }
0x74: {  	s16 =	sshra.s32 s15, $0x2;
	s0 =	sadd.s32 $0x1E848, s0;
	_ =	swait.ge [sflag:s28], $0x80  }
0x75: {  	s3 =	sadd.s32 $0x1E848, s3;
	s14 =	smov.u32 s18;
	[sflag:s28] =	ssyncset.done $0x0  }
0x76: {  	s14 =	sadd.s32 $0x400, s16;
	[sflag:s28] =	ssyncadd.s32 $0xFFFFFF80  }
0x77: {  	[tilespmem:s14], [sflag:$0x2] =	stream.indirect.gather [hbm4b:s3+s13], $0x1, s2, s13, $0xb8;
	[tilespmem:$0x10A00] =	vst v63  }
0x78: {  	s20 =	sadd.s32 $0x8400, s16  }
0x79: {  	[tilespmem:s20], [sflag:$0x2] =	stream.indirect.gather [hbm4b:s0+s13], $0x1, s12, s13, $0xb8;
	[tilespmem:$0x10A00] =	vst v63  }
0x7a: {  	s15 =	sadd.s32 $0x480, s16  }
0x7b: {  	[tilespmem:s15], [sflag:$0x2] =	stream.indirect.gather [hbm4b:s3+s13], $0x1, s13, s13, $0xb8;
	[tilespmem:$0x10A00] =	vst v63  }
0x7c: {  	s18 =	sadd.s32 $0x8480, s16  }
0x7d: {  	[tilespmem:s18], [sflag:$0x2] =	stream.indirect.gather [hbm4b:s0+s13], $0x1, s17, s13, $0xb8;
	[tilespmem:$0x10A00] =	vst v63  }
0x7e: {  	s20 =	sadd.s32 $0x500, s16  }
0x7f: {  	[tilespmem:s20], [sflag:$0x2] =	stream.indirect.gather [hbm4b:s3+s13], $0x1, s19, s13, $0xb8;
	[tilespmem:$0x10A00] =	vst v63  }
0x80: {  	s15 =	sadd.s32 $0x8500, s16  }
0x81: {  	[tilespmem:s15], [sflag:$0x2] =	stream.indirect.gather [hbm4b:s0+s13], $0x1, s21, s13, $0xb8;
	[tilespmem:$0x10A00] =	vst v63  }
0x82: {  	s18 =	sadd.s32 $0x580, s16  }
0x83: {  	[tilespmem:s18], [sflag:$0x2] =	stream.indirect.gather [hbm4b:s3+s13], $0x1, s23, s13, $0xb8;
	[tilespmem:$0x10A00] =	vst v63  }
0x84: {  	s20 =	sadd.s32 $0x8580, s16  }
0x85: {  	[tilespmem:s20], [sflag:$0x2] =	stream.indirect.gather [hbm4b:s0+s13], $0x1, s25, s13, $0xb8;
	[tilespmem:$0x10A00] =	vst v63  }
0x86: {  	_ =	swait.ge [sflag:s28], $0x80  }
0x87: {  	[sflag:s28] =	ssyncset.done $0x0  }
0x88: {  	[sflag:s28] =	ssyncadd.s32 $0xFFFFFF80  }
0x89: {  	_ =	swait.ge [sflag:s28], $0x80  }
0x8a: {  	[sflag:s28] =	ssyncset.done $0x0  }
0x8b: {  	[sflag:s28] =	ssyncadd.s32 $0xFFFFFF80  }
0x8c: {  	_ =	swait.ge [sflag:s28], $0x80  }
0x8d: {  	[sflag:s28] =	ssyncset.done $0x0  }
0x8e: {  	[sflag:s28] =	ssyncadd.s32 $0xFFFFFF80  }
0x8f: {  	_ =	swait.ge [sflag:s28], $0x80  }
0x90: {  	[sflag:s28] =	ssyncset.done $0x0  }
0x91: {  	[sflag:s28] =	ssyncadd.s32 $0xFFFFFF80  }
0x92: {  	_ =	swait.ge [sflag:s28], $0x80  }
0x93: {  	[sflag:s28] =	ssyncset.done $0x0  }
0x94: {  	[sflag:s28] =	ssyncadd.s32 $0xFFFFFF80  }
0x95: {  	_ =	swait.ge [sflag:s28], $0x80  }
0x96: {  	[sflag:s28] =	ssyncset.done $0x0  }
0x97: {  	[sflag:s28] =	ssyncadd.s32 $0xFFFFFF80  }
0x98: {  	_ =	swait.ge [sflag:s28], $0x80  }
0x99: {  	[sflag:s28] =	ssyncset.done $0x0  }
0x9a: {  	[sflag:s28] =	ssyncadd.s32 $0xFFFFFF80  }
0x9b: {  	_ =	swait.ge [sflag:s28], $0x80  }
0x9c: {  	[sflag:s28] =	ssyncset.done $0x0  }
0x9d: {  	[sflag:s28] =	ssyncadd.s32 $0xFFFFFF80  }
0x9e: {  	_ =	swait.ge [sflag:s29], $0x80  }
0x9f: {  	[sflag:s29] =	ssyncset.done $0x0  }
0xa0: {  	[sflag:s29] =	ssyncadd.s32 $0xFFFFFF80  }
0xa1: {  	_ =	swait.ge [sflag:s29], $0x80  }
0xa2: {  	[sflag:s29] =	ssyncset.done $0x0  }
0xa3: {  	[sflag:s29] =	ssyncadd.s32 $0xFFFFFF80  }
0xa4: {  	_ =	swait.ge [sflag:s29], $0x80  }
0xa5: {  	[sflag:s29] =	ssyncset.done $0x0  }
0xa6: {  	[sflag:s29] =	ssyncadd.s32 $0xFFFFFF80  }
0xa7: {  	_ =	swait.ge [sflag:s29], $0x80  }
0xa8: {  	[sflag:s29] =	ssyncset.done $0x0  }
0xa9: {  	[sflag:s29] =	ssyncadd.s32 $0xFFFFFF80  }
0xaa: {  	_ =	swait.ge [sflag:s29], $0x80  }
0xab: {  	[sflag:s29] =	ssyncset.done $0x0  }
0xac: {  	[sflag:s29] =	ssyncadd.s32 $0xFFFFFF80  }
0xad: {  	_ =	swait.ge [sflag:s29], $0x80  }
0xae: {  	[sflag:s29] =	ssyncset.done $0x0  }
0xaf: {  	[sflag:s29] =	ssyncadd.s32 $0xFFFFFF80  }
0xb0: {  	_ =	swait.ge [sflag:s29], $0x80  }
0xb1: {  	[sflag:s29] =	ssyncset.done $0x0  }
0xb2: {  	[sflag:s29] =	ssyncadd.s32 $0xFFFFFF80  }
0xb3: {  	_ =	swait.ge [sflag:s29], $0x80  }
0xb4: {  	s14 =	simm.s32 $0x8400;
	[sflag:s29] =	ssyncset.done $0x0  }
0xb5: {  	s3 =	simm.s32 $0x400;
	s0 =	simm.s32 $0x0;
	[sflag:s29] =	ssyncadd.s32 $0xFFFFFF80  }
.LBB2_4:
0xb6: {  	v0 =	vmov s3  }
0xb7: {  	v2 =	vmov s14;
	_ =	sdelay $0x2  }
0xb8: {  	s18 =	simm.s32 $0x0  }
0xb9: {  	v3 =	vld.idx.msk [tilespmem:v0+s18+$0x0 ss:$0x1], $0xffff  }
0xba: {  	v4 =	vld.idx.msk [tilespmem:v2+s18+$0x0 ss:$0x1], $0xffff  }
0xbb: {  	s15 =	sshll.u32 s0, $0x4;
	v1 =	vimm.f32 $0.0e+00;
	s16 =	simm.s32 $0x800  }
.LBB2_5:
0xbc: {  	p0 =	sne.s32 s16, $0x1F800  }
.Ltmp1:
0xbd: {  	s18 =	sshra.s32 s16, $0x2;
	(pc) =	sbr.rel @p0 .LBB2_5-.Ltmp1, $3  }
0xbe: {  	s16 =	sadd.s32 $0x800, s16;
	v5 =	vmov v3;
	v3 =	vld.idx.msk [tilespmem:v0+s18+$0x0 ss:$0x1], $0xffff  }
0xbf: {  	v5 =	vmul.f32 v4, v5;
	v4 =	vld.idx.msk [tilespmem:v2+s18+$0x0 ss:$0x1], $0xffff;
	_ =	sdelay $0x1  }
0xc0: {  	v1 =	vadd.f32 v5, v1  }
0xc1: {  	_ = 	snop  }
0xc2: {  	v0 =	vld [tilespmem:s15+$0x10400]  }
0xc3: {  	v2 =	vmul.f32 v4, v3  }
0xc4: {  	v63 =	vld [tilespmem:s15+$0x10600]  }
0xc5: {  	s0 =	sadd.s32 $0x1, s0;
	v1 =	vadd.f32 v2, v1  }
0xc6: {  	p0 =	sne.s32 s0, $0x20  }
.Ltmp2:
0xc7: {  	v0 =	vadd.f32 v0, v1;
	(pc) =	sbr.rel @p0 .LBB2_4-.Ltmp2, $3  }
0xc8: {  	_ = 	snop  }
0xc9: {  	v0 =	vadd.f32 v63, v0;
	_ =	sdelay $0x1  }
0xca: {  	s3 =	sadd.s32 $0x10, s3;
	s14 =	sadd.s32 $0x10, s14;
	[tilespmem:s15+$0x10800] =	vst v0  }
0xcb: {  	s31 =	sadd.s32 $0x1, s31  }
0xcc: {  	p0 =	sne.s32 s31, s10  }
.Ltmp3:
0xcd: {  	_ = 	snop;
	(pc) =	sbr.rel @p0 .LBB2_1-.Ltmp3, $4  }
0xce: {  	[hbm4b:s9+s2] =	stream.linear.scatter [tilespmem:s30], [sflag:$0x3], $0x200, $0x38;
	[tilespmem:$0x10A00] =	vst v63  }
0xcf: {  	_ =	swait.ge [sflag:s11], $0x200  }
0xd0: {  	[sflag:s11] =	ssyncset.done $0x0  }
0xd1: {  	[sflag:s11] =	ssyncadd.s32 $0xFFFFFE00  }
0xd2: {  	_ =	sfence.sel $0x180000  }
0xd3: {  	[bflag:$0x0] =	sbarrier.arrive $0xFFFF  }
0xd4: {  	_ =	strace $0x90000047  }
0xd5: {  	s0 =	stileid.u32;
	[bflag:$0x2] =	sbarrier.arrive $0xFFFF  }
0xd6: {  	p0 =	sne.s32 s0, $0x0;
	s0 =	rddreg [dreg:$0x4]  }
0xd7: {  	s0 =	sadd.s32 @!p0 $0x100000, s0  }
0xd8: {  	[sflag:s0] =	ssyncadd.tile.s32 @!p0 $0x1;
	_ =	shalt  }
.Lfunc_end2:
_tile_overlayer_lowered:
.L_overlay_start_2:
0xd9: {  	(tag) =	ssettag $0x2  }
0xda: {  	s0 =	rddreg [dreg:$0x0];
	s2 =	stileid.u32  }
0xdb: {  	s1 =	rddreg [dreg:$0x1];
	p0 =	sne.s32 s2, $0x0  }
0xdc: {  	s3 =	rddreg [dreg:$0x2];
	[bflag:$0x3] =	sbarrier.arrive $0xFFFF;
	s2 =	simm.s32 @!p0 $0x1C03  }
0xdd: {  	[timem:s3], [sflag:s2] =	dma.local @!p0 [hbm:s0], s1  }
0xde: {  	s0 =	simm.s32 @!p0 $0x3  }
0xdf: {  	_ =	swait.ge @!p0 [sflag:s0], s1  }
0xe0: {  	s1 =	ssub.s32 @!p0 $0x0, s1;
	[sflag:s0] =	ssyncset.done @!p0 $0x0  }
0xe1: {  	[sflag:s0] =	ssyncadd.s32 @!p0 s1  }
0xe2: {  	[bflag:$0x3] =	sbarrier.arrive $0xFFFF  }
0xe3: {  	_ =	shalt  }

</sc_bundles>
